<compile_context>
chip_gen: v7x
topology: tpu7x:2x2x1
jax: 0.10.2.dev20260603
libtpu: 0.0.44.dev20260713+nightly
codegen_flags: <defaults>
</compile_context>

<pallas_src>
import functools

import jax
import jax.numpy as jnp
from jax import lax
from jax.experimental import pallas as pl
from jax.experimental.pallas import tpu as pltpu
from jax.experimental.pallas import tpu_sc as plsc

N_NODES = 10000
FEAT = 128
E_EDGES = 320000

NCORES = 2
NSUB = 16
K = 128
CHUNKS_PER_SUB = 79
CHUNKS_PER_CORE = CHUNKS_PER_SUB * NSUB
EP = CHUNKS_PER_SUB * NCORES * NSUB * K

NP = 10240
ROWS_PER_SUB = NP // NSUB
ZROWS = 128
NZ = ROWS_PER_SUB // ZROWS

BLK = 2048
GRID = NP // BLK

_mesh = plsc.VectorSubcoreMesh(core_axis_name="c", subcore_axis_name="s")
_f32 = jnp.float32



@functools.partial(
    pl.kernel,
    out_type=jax.ShapeDtypeStruct((NCORES, NP, FEAT), _f32),
    mesh=_mesh,
    scratch_types=[
        pltpu.VMEM((K,), jnp.int32),
        pltpu.VMEM((K,), jnp.int32),
        pltpu.VMEM((K, FEAT), _f32),
        pltpu.SemaphoreType.DMA,
        pltpu.SemaphoreType.DMA,
        pltpu.SemaphoreType.DMA,
        pltpu.SemaphoreType.DMA,
        pltpu.VMEM_SHARED((NP, FEAT), _f32),
    ],
)
def _deg_kernel(dst_hbm, ones_hbm, zeros_hbm, out_hbm,
                didx0, didx1, ov, si0, si1, ss0, ss1, acc):
    c = lax.axis_index("c")
    s = lax.axis_index("s")
    pltpu.sync_copy(zeros_hbm, ov.at[pl.ds(0, ZROWS)])

    @pl.loop(0, NZ)
    def _(b):
        pltpu.sync_copy(ov.at[pl.ds(0, ZROWS)],
                        acc.at[pl.ds(s * ROWS_PER_SUB + b * ZROWS, ZROWS)])

    pltpu.sync_copy(ones_hbm, ov)
    plsc.subcore_barrier()
    base = (c * CHUNKS_PER_CORE + s * CHUNKS_PER_SUB) * K
    slots = ((didx0, si0, ss0), (didx1, si1, ss1))

    def _body(j, b, prefetch):
        didx, si, ss = slots[b]
        odidx, osi, oss = slots[1 - b]
        pltpu.make_async_copy(dst_hbm.at[pl.ds(base + j * K, K)],
                              didx, si).wait()
        pltpu.async_copy(ov, acc.at[didx], ss, add=True)
        if prefetch:
            pltpu.make_async_copy(ov, acc.at[odidx], oss).wait()
            pltpu.async_copy(dst_hbm.at[pl.ds(base + (j + 1) * K, K)],
                             odidx, osi)

    pltpu.sync_copy(dst_hbm.at[pl.ds(base, K)], didx0)
    pltpu.async_copy(ov, acc.at[didx0], ss0, add=True)
    pltpu.async_copy(dst_hbm.at[pl.ds(base + K, K)], didx1, si1)

    @pl.loop(0, (CHUNKS_PER_SUB - 3) // 2)
    def _(jj):
        for i in range(2):
            _body(1 + jj * 2 + i, (1 + i) % 2, True)

    _body(CHUNKS_PER_SUB - 2, (CHUNKS_PER_SUB - 2) % 2, True)
    _body(CHUNKS_PER_SUB - 1, (CHUNKS_PER_SUB - 1) % 2, False)
    pltpu.make_async_copy(ov, acc.at[didx1], ss1).wait()
    pltpu.make_async_copy(ov, acc.at[didx0], ss0).wait()

    plsc.subcore_barrier()

    @pl.loop(0, NZ)
    def _(b):
        r = s * ROWS_PER_SUB + b * ZROWS
        pltpu.sync_copy(acc.at[pl.ds(r, ZROWS)], out_hbm.at[c, pl.ds(r, ZROWS)])


@functools.partial(
    pl.kernel,
    out_type=jax.ShapeDtypeStruct((NCORES, NP, FEAT), _f32),
    mesh=_mesh,
    scratch_types=[
        pltpu.VMEM((K,), jnp.int32),
        pltpu.VMEM((K,), jnp.int32),
        pltpu.VMEM((K,), jnp.int32),
        pltpu.VMEM((K,), jnp.int32),
        pltpu.VMEM((K, FEAT), _f32),
        pltpu.VMEM((K, FEAT), _f32),
        pltpu.SemaphoreType.DMA,
        pltpu.SemaphoreType.DMA,
        pltpu.SemaphoreType.DMA,
        pltpu.SemaphoreType.DMA,
        pltpu.SemaphoreType.DMA,
        pltpu.SemaphoreType.DMA,
        pltpu.SemaphoreType.DMA,
        pltpu.SemaphoreType.DMA,
        pltpu.VMEM_SHARED((NP, FEAT), _f32),
    ],
)
def _edge_kernel(hs_hbm, src_hbm, dst_hbm, zeros_hbm, out_hbm,
                 sidx0, sidx1, didx0, didx1, rows0, rows1,
                 si0, si1, sd0, sd1, sg0, sg1, ss0, ss1, acc):
    c = lax.axis_index("c")
    s = lax.axis_index("s")
    pltpu.sync_copy(zeros_hbm, rows0.at[pl.ds(0, ZROWS)])

    @pl.loop(0, NZ)
    def _(b):
        pltpu.sync_copy(rows0.at[pl.ds(0, ZROWS)],
                        acc.at[pl.ds(s * ROWS_PER_SUB + b * ZROWS, ZROWS)])

    plsc.subcore_barrier()
    base = (c * CHUNKS_PER_CORE + s * CHUNKS_PER_SUB) * K
    slots = ((sidx0, didx0, rows0, si0, sd0, sg0, ss0),
             (sidx1, didx1, rows1, si1, sd1, sg1, ss1))

    def _body(j, b):
        sidx, didx, rows, si, sd, sg, ss = slots[b]
        osidx, odidx, orows, osi, osd, osg, oss = slots[1 - b]
        ne = base + (j + 1) * K
        pltpu.make_async_copy(orows, acc.at[odidx], oss).wait()
        pltpu.async_copy(src_hbm.at[pl.ds(ne, K)], osidx, osi)
        pltpu.async_copy(dst_hbm.at[pl.ds(ne, K)], odidx, osd)
        pltpu.make_async_copy(src_hbm.at[pl.ds(ne, K)], osidx, osi).wait()
        pltpu.make_async_copy(dst_hbm.at[pl.ds(ne, K)], odidx, osd).wait()
        pltpu.async_copy(hs_hbm.at[osidx], orows, osg)
        pltpu.make_async_copy(hs_hbm.at[sidx], rows, sg).wait()
        pltpu.async_copy(rows, acc.at[didx], ss, add=True)

    pltpu.sync_copy(src_hbm.at[pl.ds(base, K)], sidx0)
    pltpu.sync_copy(dst_hbm.at[pl.ds(base, K)], didx0)
    pltpu.async_copy(hs_hbm.at[sidx0], rows0, sg0)
    pltpu.async_copy(src_hbm.at[pl.ds(base + K, K)], sidx1, si1)
    pltpu.async_copy(dst_hbm.at[pl.ds(base + K, K)], didx1, sd1)
    pltpu.make_async_copy(src_hbm.at[pl.ds(base + K, K)], sidx1, si1).wait()
    pltpu.make_async_copy(dst_hbm.at[pl.ds(base + K, K)], didx1, sd1).wait()
    pltpu.async_copy(hs_hbm.at[sidx1], rows1, sg1)
    pltpu.make_async_copy(hs_hbm.at[sidx0], rows0, sg0).wait()
    pltpu.async_copy(rows0, acc.at[didx0], ss0, add=True)

    @pl.loop(0, (CHUNKS_PER_SUB - 3) // 2)
    def _(jj):
        for i in range(2):
            _body(1 + jj * 2 + i, (1 + i) % 2)

    _body(CHUNKS_PER_SUB - 2, (CHUNKS_PER_SUB - 2) % 2)
    lb = (CHUNKS_PER_SUB - 1) % 2
    sidx, didx, rows, _, _, sg, ss = slots[lb]
    osidx, odidx, orows, _, _, _, oss = slots[1 - lb]
    pltpu.make_async_copy(orows, acc.at[odidx], oss).wait()
    pltpu.make_async_copy(hs_hbm.at[sidx], rows, sg).wait()
    pltpu.async_copy(rows, acc.at[didx], ss, add=True)
    pltpu.make_async_copy(rows, acc.at[didx], ss).wait()

    plsc.subcore_barrier()

    @pl.loop(0, NZ)
    def _(b):
        r = s * ROWS_PER_SUB + b * ZROWS
        pltpu.sync_copy(acc.at[pl.ds(r, ZROWS)], out_hbm.at[c, pl.ds(r, ZROWS)])



def _mm_body(x_ref, w_ref, o_ref):
    o_ref[...] = jnp.dot(x_ref[...], w_ref[...], preferred_element_type=_f32)


def _mm(x, w):
    return pl.pallas_call(
        _mm_body,
        grid=(GRID,),
        in_specs=[pl.BlockSpec((BLK, FEAT), lambda i: (i, 0)),
                  pl.BlockSpec((FEAT, FEAT), lambda i: (0, 0))],
        out_specs=pl.BlockSpec((BLK, FEAT), lambda i: (i, 0)),
        out_shape=jax.ShapeDtypeStruct((NP, FEAT), _f32),
    )(x, w)


def _scale_body(degp_ref, h_ref, hs_ref, dinv_ref):
    dinv = lax.rsqrt(degp_ref[0] + degp_ref[1] + 1.0)
    dinv_ref[...] = dinv
    hs_ref[...] = h_ref[...] * dinv


def _scale(degp, h):
    return pl.pallas_call(
        _scale_body,
        grid=(GRID,),
        in_specs=[pl.BlockSpec((NCORES, BLK, FEAT), lambda i: (0, i, 0)),
                  pl.BlockSpec((BLK, FEAT), lambda i: (i, 0))],
        out_specs=[pl.BlockSpec((BLK, FEAT), lambda i: (i, 0)),
                   pl.BlockSpec((BLK, FEAT), lambda i: (i, 0))],
        out_shape=[jax.ShapeDtypeStruct((NP, FEAT), _f32),
                   jax.ShapeDtypeStruct((NP, FEAT), _f32)],
    )(degp, h)


def _dense2_body(dinv_ref, accp_ref, h1_ref, b1_ref, w2_ref, h2_ref, hs2_ref):
    dinv = dinv_ref[...]
    ap = accp_ref[...]
    out1 = (ap[0] + ap[1]) * dinv + h1_ref[...] * dinv * dinv + b1_ref[...]
    h2 = jnp.dot(out1, w2_ref[...], preferred_element_type=_f32)
    h2_ref[...] = h2
    hs2_ref[...] = h2 * dinv


def _dense2(dinv, accp, h1, b1, w2):
    return pl.pallas_call(
        _dense2_body,
        grid=(GRID,),
        in_specs=[pl.BlockSpec((BLK, FEAT), lambda i: (i, 0)),
                  pl.BlockSpec((NCORES, BLK, FEAT), lambda i: (0, i, 0)),
                  pl.BlockSpec((BLK, FEAT), lambda i: (i, 0)),
                  pl.BlockSpec((1, FEAT), lambda i: (0, 0)),
                  pl.BlockSpec((FEAT, FEAT), lambda i: (0, 0))],
        out_specs=[pl.BlockSpec((BLK, FEAT), lambda i: (i, 0)),
                   pl.BlockSpec((BLK, FEAT), lambda i: (i, 0))],
        out_shape=[jax.ShapeDtypeStruct((NP, FEAT), _f32),
                   jax.ShapeDtypeStruct((NP, FEAT), _f32)],
    )(dinv, accp, h1, b1, w2)


def _final_body(dinv_ref, accp_ref, h2_ref, b2_ref, y_ref):
    dinv = dinv_ref[...]
    ap = accp_ref[...]
    out2 = (ap[0] + ap[1]) * dinv + h2_ref[...] * dinv * dinv + b2_ref[...]
    m = jnp.max(out2, axis=-1, keepdims=True)
    z = out2 - m
    y_ref[...] = z - jnp.log(jnp.sum(jnp.exp(z), axis=-1, keepdims=True))


def _final(dinv, accp, h2, b2):
    return pl.pallas_call(
        _final_body,
        grid=(GRID,),
        in_specs=[pl.BlockSpec((BLK, FEAT), lambda i: (i, 0)),
                  pl.BlockSpec((NCORES, BLK, FEAT), lambda i: (0, i, 0)),
                  pl.BlockSpec((BLK, FEAT), lambda i: (i, 0)),
                  pl.BlockSpec((1, FEAT), lambda i: (0, 0))],
        out_specs=pl.BlockSpec((BLK, FEAT), lambda i: (i, 0)),
        out_shape=jax.ShapeDtypeStruct((NP, FEAT), _f32),
    )(dinv, accp, h2, b2)



def kernel(x, edge_index, W1, b1, W2, b2):
    xp = jnp.zeros((NP, FEAT), _f32).at[:N_NODES].set(x)
    pad = jnp.full((EP - E_EDGES,), N_NODES, jnp.int32)
    src = jnp.concatenate([edge_index[0], pad])
    dst = jnp.concatenate([edge_index[1], pad])
    ones128 = jnp.ones((K, FEAT), _f32)
    zeros128 = jnp.zeros((ZROWS, FEAT), _f32)

    degp = _deg_kernel(dst, ones128, zeros128)
    h1 = _mm(xp, W1)
    hs1, dinv = _scale(degp, h1)
    acc1 = _edge_kernel(hs1, src, dst, zeros128)
    h2, hs2 = _dense2(dinv, acc1, h1, b1.reshape(1, FEAT), W2)
    acc2 = _edge_kernel(hs2, src, dst, zeros128)
    y = _final(dinv, acc2, h2, b2.reshape(1, FEAT))
    return y[:N_NODES]

# --- scband reference (transcript-rebuilt; emitter-appended) ---
"""Pipeline reference for scband-sgc-20117626814729 (READ-ONLY COPY).

The authoritative reference and input builder live on the scoring server;
editing this copy changes nothing except your own understanding.
"""

import jax, jax.numpy as jnp
import numpy as np

N = 10000
E = 320000
DIN = 128
DH = 128
DOUT = 128


def setup_inputs(seed: int = 0) -> dict:
    key = jax.random.key(seed)
    k1, k2, k3, k4, k5, k6 = jax.random.split(key, 6)
    x = jax.random.normal(k1, (N, DIN), dtype=jnp.float32)
    edge_index = jax.random.randint(k2, (2, E), 0, N, dtype=jnp.int32)
    W1 = jax.random.normal(k3, (DIN, DH), dtype=jnp.float32) * (1.0 / np.sqrt(DIN))
    b1 = jnp.zeros((DH,), dtype=jnp.float32)
    W2 = jax.random.normal(k4, (DH, DOUT), dtype=jnp.float32) * (1.0 / np.sqrt(DH))
    b2 = jnp.zeros((DOUT,), dtype=jnp.float32)
    return {"x": x, "edge_index": edge_index, "W1": W1, "b1": b1, "W2": W2, "b2": b2}


def _gcn_conv(x, edge_index, W, b):
    n = x.shape[0]
    loop = jnp.arange(n, dtype=edge_index.dtype)
    src = jnp.concatenate([edge_index[0], loop])
    dst = jnp.concatenate([edge_index[1], loop])
    ones = jnp.ones_like(src, dtype=x.dtype)
    deg = jax.ops.segment_sum(ones, dst, num_segments=n)
    dinv = jnp.where(deg > 0, jax.lax.rsqrt(deg), 0.0)
    norm = dinv[src] * dinv[dst]
    h = x @ W
    msg = h[src] * norm[:, None]
    out = jax.ops.segment_sum(msg, dst, num_segments=n)
    return out + b


def reference(x, edge_index, W1, b1, W2, b2):
    # dropout_p = 0.0 -> identity in eval; faithful to module
    h = _gcn_conv(x, edge_index, W1, b1)
    h = _gcn_conv(h, edge_index, W2, b2)
    return jax.nn.log_softmax(h, axis=-1)

if __name__ == "__main__":
    import jax
    _d = setup_inputs()
    print(jax.jit(kernel)(*tuple(_d.values())))

</pallas_src>

<mosaic_0001>
#map = affine_map<(d0, d1) -> (0, 0)>
#map1 = affine_map<(d0, d1) -> (0)>
#map2 = affine_map<(d0, d1) -> (0, 0, 0)>
module attributes {stable_mosaic.version = 14 : i64} {
  func.func @_edge_kernel(%arg0: i32, %arg1: i32, %arg2: memref<10240x128xf32, #tpu.memory_space<hbm>>, %arg3: memref<323584xi32, #tpu.memory_space<hbm>>, %arg4: memref<323584xi32, #tpu.memory_space<hbm>>, %arg5: memref<128x128xf32, #tpu.memory_space<hbm>>, %arg6: memref<2x10240x128xf32, #tpu.memory_space<hbm>>, %arg7: memref<128xi32, #tpu.memory_space<vmem>>, %arg8: memref<128xi32, #tpu.memory_space<vmem>>, %arg9: memref<128xi32, #tpu.memory_space<vmem>>, %arg10: memref<128xi32, #tpu.memory_space<vmem>>, %arg11: memref<128x128xf32, #tpu.memory_space<vmem>>, %arg12: memref<128x128xf32, #tpu.memory_space<vmem>>, %arg13: memref<!tpu.dma_semaphore, #tpu.memory_space<semaphore_mem>>, %arg14: memref<!tpu.dma_semaphore, #tpu.memory_space<semaphore_mem>>, %arg15: memref<!tpu.dma_semaphore, #tpu.memory_space<semaphore_mem>>, %arg16: memref<!tpu.dma_semaphore, #tpu.memory_space<semaphore_mem>>, %arg17: memref<!tpu.dma_semaphore, #tpu.memory_space<semaphore_mem>>, %arg18: memref<!tpu.dma_semaphore, #tpu.memory_space<semaphore_mem>>, %arg19: memref<!tpu.dma_semaphore, #tpu.memory_space<semaphore_mem>>, %arg20: memref<!tpu.dma_semaphore, #tpu.memory_space<semaphore_mem>>, %arg21: memref<10240x128xf32, #tpu.memory_space<vmem_shared>>) attributes {dimension_semantics = [#tpu.dimension_semantics<core_parallel>, #tpu.dimension_semantics<subcore_parallel>], iteration_bounds = array<i64: 2, 16>, scalar_prefetch = 0 : i64, scratch_operands = 15 : i64, tpu.core_type = #tpu.core_type<sc_vector_subcore>, window_params = [{transform_indices = #map}, {transform_indices = #map1}, {transform_indices = #map1}, {transform_indices = #map}, {transform_indices = #map2}]} {
    "tpu.region"() ({
      %run_scoped3A = tpu.sem_alloc : memref<!tpu.dma_semaphore, #tpu.memory_space<semaphore_mem>>
      %dma_start3A_80 = arith.constant 0 : i32
      %dma_start3A_81 = arith.constant 0 : i32
      %dma_start3A_82 = tpu.memref_slice %arg11[%dma_start3A_80, %dma_start3A_81] : memref<128x128xf32, #tpu.memory_space<vmem>> -> memref<128x128xf32, #tpu.memory_space<vmem>>
      %dma_start3A_83 = arith.constant 0 : i32
      %dma_start3A_84 = arith.constant 0 : i32
      %dma_start3A_85 = tpu.memref_slice %arg11[%dma_start3A_83, %dma_start3A_84] : memref<128x128xf32, #tpu.memory_space<vmem>> -> memref<128x128xf32, #tpu.memory_space<vmem>>
      tpu.enqueue_dma source(%arg5 : memref<128x128xf32, #tpu.memory_space<hbm>>) target(%dma_start3A_85 : memref<128x128xf32, #tpu.memory_space<vmem>>) target_semaphore(%run_scoped3A : memref<!tpu.dma_semaphore, #tpu.memory_space<semaphore_mem>>)
      %dma_wait3A_86 = arith.constant 0 : i32
      %dma_wait3A_87 = arith.constant 0 : i32
      %dma_wait3A_88 = tpu.memref_slice %arg11[%dma_wait3A_86, %dma_wait3A_87] : memref<128x128xf32, #tpu.memory_space<vmem>> -> memref<128x128xf32, #tpu.memory_space<vmem>>
      %dma_wait3A_89 = arith.constant 0 : i32
      %dma_wait3A_90 = arith.constant 0 : i32
      %dma_wait3A_91 = tpu.memref_slice %arg11[%dma_wait3A_89, %dma_wait3A_90] : memref<128x128xf32, #tpu.memory_space<vmem>> -> memref<128x128xf32, #tpu.memory_space<vmem>>
      tpu.wait_dma2 semaphore(%run_scoped3A : memref<!tpu.dma_semaphore, #tpu.memory_space<semaphore_mem>>) src(%arg5 : memref<128x128xf32, #tpu.memory_space<hbm>>) dst(%dma_wait3A_91 : memref<128x128xf32, #tpu.memory_space<vmem>>)
      tpu.yield
    }) : () -> ()
    %scan3A = arith.constant 0 : i32
    %scan3A_0 = arith.constant 5 : i32
    %scan3A_1 = arith.addi %scan3A, %scan3A_0 : i32
    %scan3A_2 = arith.constant 1 : i32
    scf.for %scan3A_80 = %scan3A to %scan3A_1 step %scan3A_2  : i32 {
      %mul3A_81 = arith.constant 1 : i32
      %mul3A_82 = arith.muli %scan3A_80, %mul3A_81 : i32
      %add3A_83 = arith.constant 0 : i32
      %add3A_84 = arith.addi %add3A_83, %mul3A_82 : i32
      %mul3A_85 = arith.constant 640 : i32
      %mul3A_86 = arith.muli %arg1, %mul3A_85 : i32
      %mul3A_87 = arith.constant 128 : i32
      %mul3A_88 = arith.muli %add3A_84, %mul3A_87 : i32
      %add3A_89 = arith.addi %mul3A_86, %mul3A_88 : i32
      "tpu.region"() ({
        %run_scoped3A = tpu.sem_alloc : memref<!tpu.dma_semaphore, #tpu.memory_space<semaphore_mem>>
        %dma_start3A_90 = arith.constant 0 : i32
        %dma_start3A_91 = arith.constant 0 : i32
        %dma_start3A_92 = tpu.memref_slice %arg11[%dma_start3A_90, %dma_start3A_91] : memref<128x128xf32, #tpu.memory_space<vmem>> -> memref<128x128xf32, #tpu.memory_space<vmem>>
        %dma_start3A_93 = arith.constant 0 : i32
        %dma_start3A_94 = tpu.memref_slice %arg21[%add3A_89, %dma_start3A_93] : memref<10240x128xf32, #tpu.memory_space<vmem_shared>> -> memref<128x128xf32, #tpu.memory_space<vmem_shared>>
        %dma_start3A_95 = arith.constant 0 : i32
        %dma_start3A_96 = tpu.memref_slice %arg21[%add3A_89, %dma_start3A_95] : memref<10240x128xf32, #tpu.memory_space<vmem_shared>> -> memref<128x128xf32, #tpu.memory_space<vmem_shared>>
        %dma_start3A_97 = arith.constant 0 : i32
        %dma_start3A_98 = arith.constant 0 : i32
        %dma_start3A_99 = tpu.memref_slice %arg11[%dma_start3A_97, %dma_start3A_98] : memref<128x128xf32, #tpu.memory_space<vmem>> -> memref<128x128xf32, #tpu.memory_space<vmem>>
        tpu.enqueue_dma source(%dma_start3A_99 : memref<128x128xf32, #tpu.memory_space<vmem>>) target(%dma_start3A_96 : memref<128x128xf32, #tpu.memory_space<vmem_shared>>) target_semaphore(%run_scoped3A : memref<!tpu.dma_semaphore, #tpu.memory_space<semaphore_mem>>)
        %dma_wait3A_100 = arith.constant 0 : i32
        %dma_wait3A_101 = arith.constant 0 : i32
        %dma_wait3A_102 = tpu.memref_slice %arg11[%dma_wait3A_100, %dma_wait3A_101] : memref<128x128xf32, #tpu.memory_space<vmem>> -> memref<128x128xf32, #tpu.memory_space<vmem>>
        %dma_wait3A_103 = arith.constant 0 : i32
        %dma_wait3A_104 = tpu.memref_slice %arg21[%add3A_89, %dma_wait3A_103] : memref<10240x128xf32, #tpu.memory_space<vmem_shared>> -> memref<128x128xf32, #tpu.memory_space<vmem_shared>>
        %dma_wait3A_105 = arith.constant 0 : i32
        %dma_wait3A_106 = tpu.memref_slice %arg21[%add3A_89, %dma_wait3A_105] : memref<10240x128xf32, #tpu.memory_space<vmem_shared>> -> memref<128x128xf32, #tpu.memory_space<vmem_shared>>
        %dma_wait3A_107 = arith.constant 0 : i32
        %dma_wait3A_108 = arith.constant 0 : i32
        %dma_wait3A_109 = tpu.memref_slice %arg11[%dma_wait3A_107, %dma_wait3A_108] : memref<128x128xf32, #tpu.memory_space<vmem>> -> memref<128x128xf32, #tpu.memory_space<vmem>>
        tpu.wait_dma2 semaphore(%run_scoped3A : memref<!tpu.dma_semaphore, #tpu.memory_space<semaphore_mem>>) src(%dma_wait3A_109 : memref<128x128xf32, #tpu.memory_space<vmem>>) dst(%dma_wait3A_106 : memref<128x128xf32, #tpu.memory_space<vmem_shared>>)
        tpu.yield
      }) : () -> ()
    }
    %scan3A_3 = arith.constant 5 : i32
    %barrier3A = arith.constant 0 : index
    tpu.barrier barrier_id(%barrier3A)
    %mul3A = arith.constant 1264 : i32
    %mul3A_4 = arith.muli %arg0, %mul3A : i32
    %mul3A_5 = arith.constant 79 : i32
    %mul3A_6 = arith.muli %arg1, %mul3A_5 : i32
    %add3A = arith.addi %mul3A_4, %mul3A_6 : i32
    %mul3A_7 = arith.constant 128 : i32
    %mul3A_8 = arith.muli %add3A, %mul3A_7 : i32
    "tpu.region"() ({
      %run_scoped3A = tpu.sem_alloc : memref<!tpu.dma_semaphore, #tpu.memory_space<semaphore_mem>>
      %dma_start3A_80 = tpu.memref_slice %arg3[%mul3A_8] : memref<323584xi32, #tpu.memory_space<hbm>> -> memref<128xi32, #tpu.memory_space<hbm>>
      %dma_start3A_81 = tpu.memref_slice %arg3[%mul3A_8] : memref<323584xi32, #tpu.memory_space<hbm>> -> memref<128xi32, #tpu.memory_space<hbm>>
      tpu.enqueue_dma source(%dma_start3A_81 : memref<128xi32, #tpu.memory_space<hbm>>) target(%arg7 : memref<128xi32, #tpu.memory_space<vmem>>) target_semaphore(%run_scoped3A : memref<!tpu.dma_semaphore, #tpu.memory_space<semaphore_mem>>)
      %dma_wait3A_82 = tpu.memref_slice %arg3[%mul3A_8] : memref<323584xi32, #tpu.memory_space<hbm>> -> memref<128xi32, #tpu.memory_space<hbm>>
      %dma_wait3A_83 = tpu.memref_slice %arg3[%mul3A_8] : memref<323584xi32, #tpu.memory_space<hbm>> -> memref<128xi32, #tpu.memory_space<hbm>>
      tpu.wait_dma2 semaphore(%run_scoped3A : memref<!tpu.dma_semaphore, #tpu.memory_space<semaphore_mem>>) src(%dma_wait3A_83 : memref<128xi32, #tpu.memory_space<hbm>>) dst(%arg7 : memref<128xi32, #tpu.memory_space<vmem>>)
      tpu.yield
    }) : () -> ()
    "tpu.region"() ({
      %run_scoped3A = tpu.sem_alloc : memref<!tpu.dma_semaphore, #tpu.memory_space<semaphore_mem>>
      %dma_start3A_80 = tpu.memref_slice %arg4[%mul3A_8] : memref<323584xi32, #tpu.memory_space<hbm>> -> memref<128xi32, #tpu.memory_space<hbm>>
      %dma_start3A_81 = tpu.memref_slice %arg4[%mul3A_8] : memref<323584xi32, #tpu.memory_space<hbm>> -> memref<128xi32, #tpu.memory_space<hbm>>
      tpu.enqueue_dma source(%dma_start3A_81 : memref<128xi32, #tpu.memory_space<hbm>>) target(%arg9 : memref<128xi32, #tpu.memory_space<vmem>>) target_semaphore(%run_scoped3A : memref<!tpu.dma_semaphore, #tpu.memory_space<semaphore_mem>>)
      %dma_wait3A_82 = tpu.memref_slice %arg4[%mul3A_8] : memref<323584xi32, #tpu.memory_space<hbm>> -> memref<128xi32, #tpu.memory_space<hbm>>
      %dma_wait3A_83 = tpu.memref_slice %arg4[%mul3A_8] : memref<323584xi32, #tpu.memory_space<hbm>> -> memref<128xi32, #tpu.memory_space<hbm>>
      tpu.wait_dma2 semaphore(%run_scoped3A : memref<!tpu.dma_semaphore, #tpu.memory_space<semaphore_mem>>) src(%dma_wait3A_83 : memref<128xi32, #tpu.memory_space<hbm>>) dst(%arg9 : memref<128xi32, #tpu.memory_space<vmem>>)
      tpu.yield
    }) : () -> ()
    %dma_start3A = arith.constant 0 : i32
    %dma_start3A_9 = arith.constant 0 : i32
    %dma_start3A_10 = tpu.memref_slice %arg2[%dma_start3A, %dma_start3A_9] : memref<10240x128xf32, #tpu.memory_space<hbm>> -> memref<10240x128xf32, #tpu.memory_space<hbm>>
    tpu.enqueue_indirect_dma source(%dma_start3A_10 : memref<10240x128xf32, #tpu.memory_space<hbm>>) target(%arg11 : memref<128x128xf32, #tpu.memory_space<vmem>>) offsets(%arg7 : memref<128xi32, #tpu.memory_space<vmem>>) semaphore(%arg17 : memref<!tpu.dma_semaphore, #tpu.memory_space<semaphore_mem>>)
    %add3A_11 = arith.constant 128 : i32
    %add3A_12 = arith.addi %mul3A_8, %add3A_11 : i32
    %dma_start3A_13 = tpu.memref_slice %arg3[%add3A_12] : memref<323584xi32, #tpu.memory_space<hbm>> -> memref<128xi32, #tpu.memory_space<hbm>>
    %dma_start3A_14 = tpu.memref_slice %arg3[%add3A_12] : memref<323584xi32, #tpu.memory_space<hbm>> -> memref<128xi32, #tpu.memory_space<hbm>>
    tpu.enqueue_dma source(%dma_start3A_14 : memref<128xi32, #tpu.memory_space<hbm>>) target(%arg8 : memref<128xi32, #tpu.memory_space<vmem>>) target_semaphore(%arg14 : memref<!tpu.dma_semaphore, #tpu.memory_space<semaphore_mem>>)
    %add3A_15 = arith.constant 128 : i32
    %add3A_16 = arith.addi %mul3A_8, %add3A_15 : i32
    %dma_start3A_17 = tpu.memref_slice %arg4[%add3A_16] : memref<323584xi32, #tpu.memory_space<hbm>> -> memref<128xi32, #tpu.memory_space<hbm>>
    %dma_start3A_18 = tpu.memref_slice %arg4[%add3A_16] : memref<323584xi32, #tpu.memory_space<hbm>> -> memref<128xi32, #tpu.memory_space<hbm>>
    tpu.enqueue_dma source(%dma_start3A_18 : memref<128xi32, #tpu.memory_space<hbm>>) target(%arg10 : memref<128xi32, #tpu.memory_space<vmem>>) target_semaphore(%arg16 : memref<!tpu.dma_semaphore, #tpu.memory_space<semaphore_mem>>)
    %add3A_19 = arith.constant 128 : i32
    %add3A_20 = arith.addi %mul3A_8, %add3A_19 : i32
    %dma_wait3A = tpu.memref_slice %arg3[%add3A_20] : memref<323584xi32, #tpu.memory_space<hbm>> -> memref<128xi32, #tpu.memory_space<hbm>>
    %dma_wait3A_21 = tpu.memref_slice %arg3[%add3A_20] : memref<323584xi32, #tpu.memory_space<hbm>> -> memref<128xi32, #tpu.memory_space<hbm>>
    tpu.wait_dma2 semaphore(%arg14 : memref<!tpu.dma_semaphore, #tpu.memory_space<semaphore_mem>>) src(%dma_wait3A_21 : memref<128xi32, #tpu.memory_space<hbm>>) dst(%arg8 : memref<128xi32, #tpu.memory_space<vmem>>)
    %add3A_22 = arith.constant 128 : i32
    %add3A_23 = arith.addi %mul3A_8, %add3A_22 : i32
    %dma_wait3A_24 = tpu.memref_slice %arg4[%add3A_23] : memref<323584xi32, #tpu.memory_space<hbm>> -> memref<128xi32, #tpu.memory_space<hbm>>
    %dma_wait3A_25 = tpu.memref_slice %arg4[%add3A_23] : memref<323584xi32, #tpu.memory_space<hbm>> -> memref<128xi32, #tpu.memory_space<hbm>>
    tpu.wait_dma2 semaphore(%arg16 : memref<!tpu.dma_semaphore, #tpu.memory_space<semaphore_mem>>) src(%dma_wait3A_25 : memref<128xi32, #tpu.memory_space<hbm>>) dst(%arg10 : memref<128xi32, #tpu.memory_space<vmem>>)
    %dma_start3A_26 = arith.constant 0 : i32
    %dma_start3A_27 = arith.constant 0 : i32
    %dma_start3A_28 = tpu.memref_slice %arg2[%dma_start3A_26, %dma_start3A_27] : memref<10240x128xf32, #tpu.memory_space<hbm>> -> memref<10240x128xf32, #tpu.memory_space<hbm>>
    tpu.enqueue_indirect_dma source(%dma_start3A_28 : memref<10240x128xf32, #tpu.memory_space<hbm>>) target(%arg12 : memref<128x128xf32, #tpu.memory_space<vmem>>) offsets(%arg8 : memref<128xi32, #tpu.memory_space<vmem>>) semaphore(%arg18 : memref<!tpu.dma_semaphore, #tpu.memory_space<semaphore_mem>>)
    %dma_wait3A_29 = arith.constant 0 : i32
    %dma_wait3A_30 = arith.constant 0 : i32
    %dma_wait3A_31 = tpu.memref_slice %arg2[%dma_wait3A_29, %dma_wait3A_30] : memref<10240x128xf32, #tpu.memory_space<hbm>> -> memref<10240x128xf32, #tpu.memory_space<hbm>>
    tpu.wait_indirect_dma semaphore(%arg17 : memref<!tpu.dma_semaphore, #tpu.memory_space<semaphore_mem>>) src(%dma_wait3A_31 : memref<10240x128xf32, #tpu.memory_space<hbm>>) dst(%arg11 : memref<128x128xf32, #tpu.memory_space<vmem>>)
    %dma_start3A_32 = arith.constant 0 : i32
    %dma_start3A_33 = arith.constant 0 : i32
    %dma_start3A_34 = tpu.memref_slice %arg21[%dma_start3A_32, %dma_start3A_33] : memref<10240x128xf32, #tpu.memory_space<vmem_shared>> -> memref<10240x128xf32, #tpu.memory_space<vmem_shared>>
    tpu.enqueue_indirect_dma source(%arg11 : memref<128x128xf32, #tpu.memory_space<vmem>>) target(%dma_start3A_34 : memref<10240x128xf32, #tpu.memory_space<vmem_shared>>) offsets(%arg9 : memref<128xi32, #tpu.memory_space<vmem>>) semaphore(%arg19 : memref<!tpu.dma_semaphore, #tpu.memory_space<semaphore_mem>>) {add = true}
    %scan3A_35 = arith.constant 0 : i32
    %scan3A_36 = arith.constant 38 : i32
    %scan3A_37 = arith.addi %scan3A_35, %scan3A_36 : i32
    %scan3A_38 = arith.constant 1 : i32
    scf.for %scan3A_80 = %scan3A_35 to %scan3A_37 step %scan3A_38  : i32 {
      %mul3A_81 = arith.constant 1 : i32
      %mul3A_82 = arith.muli %scan3A_80, %mul3A_81 : i32
      %add3A_83 = arith.constant 0 : i32
      %add3A_84 = arith.addi %add3A_83, %mul3A_82 : i32
      %mul3A_85 = arith.constant 2 : i32
      %mul3A_86 = arith.muli %add3A_84, %mul3A_85 : i32
      %add3A_87 = arith.constant 1 : i32
      %add3A_88 = arith.addi %add3A_87, %mul3A_86 : i32
      %add3A_89 = arith.constant 0 : i32
      %add3A_90 = arith.addi %add3A_88, %add3A_89 : i32
      %add3A_91 = arith.constant 1 : i32
      %add3A_92 = arith.addi %add3A_90, %add3A_91 : i32
      %mul3A_93 = arith.constant 128 : i32
      %mul3A_94 = arith.muli %add3A_92, %mul3A_93 : i32
      %add3A_95 = arith.addi %mul3A_8, %mul3A_94 : i32
      %dma_wait3A_96 = arith.constant 0 : i32
      %dma_wait3A_97 = arith.constant 0 : i32
      %dma_wait3A_98 = tpu.memref_slice %arg21[%dma_wait3A_96, %dma_wait3A_97] : memref<10240x128xf32, #tpu.memory_space<vmem_shared>> -> memref<10240x128xf32, #tpu.memory_space<vmem_shared>>
      tpu.wait_indirect_dma semaphore(%arg19 : memref<!tpu.dma_semaphore, #tpu.memory_space<semaphore_mem>>) src(%arg11 : memref<128x128xf32, #tpu.memory_space<vmem>>) dst(%dma_wait3A_98 : memref<10240x128xf32, #tpu.memory_space<vmem_shared>>)
      %dma_start3A_99 = tpu.memref_slice %arg3[%add3A_95] : memref<323584xi32, #tpu.memory_space<hbm>> -> memref<128xi32, #tpu.memory_space<hbm>>
      %dma_start3A_100 = tpu.memref_slice %arg3[%add3A_95] : memref<323584xi32, #tpu.memory_space<hbm>> -> memref<128xi32, #tpu.memory_space<hbm>>
      tpu.enqueue_dma source(%dma_start3A_100 : memref<128xi32, #tpu.memory_space<hbm>>) target(%arg7 : memref<128xi32, #tpu.memory_space<vmem>>) target_semaphore(%arg13 : memref<!tpu.dma_semaphore, #tpu.memory_space<semaphore_mem>>)
      %dma_start3A_101 = tpu.memref_slice %arg4[%add3A_95] : memref<323584xi32, #tpu.memory_space<hbm>> -> memref<128xi32, #tpu.memory_space<hbm>>
      %dma_start3A_102 = tpu.memref_slice %arg4[%add3A_95] : memref<323584xi32, #tpu.memory_space<hbm>> -> memref<128xi32, #tpu.memory_space<hbm>>
      tpu.enqueue_dma source(%dma_start3A_102 : memref<128xi32, #tpu.memory_space<hbm>>) target(%arg9 : memref<128xi32, #tpu.memory_space<vmem>>) target_semaphore(%arg15 : memref<!tpu.dma_semaphore, #tpu.memory_space<semaphore_mem>>)
      %dma_wait3A_103 = tpu.memref_slice %arg3[%add3A_95] : memref<323584xi32, #tpu.memory_space<hbm>> -> memref<128xi32, #tpu.memory_space<hbm>>
      %dma_wait3A_104 = tpu.memref_slice %arg3[%add3A_95] : memref<323584xi32, #tpu.memory_space<hbm>> -> memref<128xi32, #tpu.memory_space<hbm>>
      tpu.wait_dma2 semaphore(%arg13 : memref<!tpu.dma_semaphore, #tpu.memory_space<semaphore_mem>>) src(%dma_wait3A_104 : memref<128xi32, #tpu.memory_space<hbm>>) dst(%arg7 : memref<128xi32, #tpu.memory_space<vmem>>)
      %dma_wait3A_105 = tpu.memref_slice %arg4[%add3A_95] : memref<323584xi32, #tpu.memory_space<hbm>> -> memref<128xi32, #tpu.memory_space<hbm>>
      %dma_wait3A_106 = tpu.memref_slice %arg4[%add3A_95] : memref<323584xi32, #tpu.memory_space<hbm>> -> memref<128xi32, #tpu.memory_space<hbm>>
      tpu.wait_dma2 semaphore(%arg15 : memref<!tpu.dma_semaphore, #tpu.memory_space<semaphore_mem>>) src(%dma_wait3A_106 : memref<128xi32, #tpu.memory_space<hbm>>) dst(%arg9 : memref<128xi32, #tpu.memory_space<vmem>>)
      %dma_start3A_107 = arith.constant 0 : i32
      %dma_start3A_108 = arith.constant 0 : i32
      %dma_start3A_109 = tpu.memref_slice %arg2[%dma_start3A_107, %dma_start3A_108] : memref<10240x128xf32, #tpu.memory_space<hbm>> -> memref<10240x128xf32, #tpu.memory_space<hbm>>
      tpu.enqueue_indirect_dma source(%dma_start3A_109 : memref<10240x128xf32, #tpu.memory_space<hbm>>) target(%arg11 : memref<128x128xf32, #tpu.memory_space<vmem>>) offsets(%arg7 : memref<128xi32, #tpu.memory_space<vmem>>) semaphore(%arg17 : memref<!tpu.dma_semaphore, #tpu.memory_space<semaphore_mem>>)
      %dma_wait3A_110 = arith.constant 0 : i32
      %dma_wait3A_111 = arith.constant 0 : i32
      %dma_wait3A_112 = tpu.memref_slice %arg2[%dma_wait3A_110, %dma_wait3A_111] : memref<10240x128xf32, #tpu.memory_space<hbm>> -> memref<10240x128xf32, #tpu.memory_space<hbm>>
      tpu.wait_indirect_dma semaphore(%arg18 : memref<!tpu.dma_semaphore, #tpu.memory_space<semaphore_mem>>) src(%dma_wait3A_112 : memref<10240x128xf32, #tpu.memory_space<hbm>>) dst(%arg12 : memref<128x128xf32, #tpu.memory_space<vmem>>)
      %dma_start3A_113 = arith.constant 0 : i32
      %dma_start3A_114 = arith.constant 0 : i32
      %dma_start3A_115 = tpu.memref_slice %arg21[%dma_start3A_113, %dma_start3A_114] : memref<10240x128xf32, #tpu.memory_space<vmem_shared>> -> memref<10240x128xf32, #tpu.memory_space<vmem_shared>>
      tpu.enqueue_indirect_dma source(%arg12 : memref<128x128xf32, #tpu.memory_space<vmem>>) target(%dma_start3A_115 : memref<10240x128xf32, #tpu.memory_space<vmem_shared>>) offsets(%arg10 : memref<128xi32, #tpu.memory_space<vmem>>) semaphore(%arg20 : memref<!tpu.dma_semaphore, #tpu.memory_space<semaphore_mem>>) {add = true}
      %mul3A_116 = arith.constant 2 : i32
      %mul3A_117 = arith.muli %add3A_84, %mul3A_116 : i32
      %add3A_118 = arith.constant 1 : i32
      %add3A_119 = arith.addi %add3A_118, %mul3A_117 : i32
      %add3A_120 = arith.constant 1 : i32
      %add3A_121 = arith.addi %add3A_119, %add3A_120 : i32
      %add3A_122 = arith.constant 1 : i32
      %add3A_123 = arith.addi %add3A_121, %add3A_122 : i32
      %mul3A_124 = arith.constant 128 : i32
      %mul3A_125 = arith.muli %add3A_123, %mul3A_124 : i32
      %add3A_126 = arith.addi %mul3A_8, %mul3A_125 : i32
      %dma_wait3A_127 = arith.constant 0 : i32
      %dma_wait3A_128 = arith.constant 0 : i32
      %dma_wait3A_129 = tpu.memref_slice %arg21[%dma_wait3A_127, %dma_wait3A_128] : memref<10240x128xf32, #tpu.memory_space<vmem_shared>> -> memref<10240x128xf32, #tpu.memory_space<vmem_shared>>
      tpu.wait_indirect_dma semaphore(%arg20 : memref<!tpu.dma_semaphore, #tpu.memory_space<semaphore_mem>>) src(%arg12 : memref<128x128xf32, #tpu.memory_space<vmem>>) dst(%dma_wait3A_129 : memref<10240x128xf32, #tpu.memory_space<vmem_shared>>)
      %dma_start3A_130 = tpu.memref_slice %arg3[%add3A_126] : memref<323584xi32, #tpu.memory_space<hbm>> -> memref<128xi32, #tpu.memory_space<hbm>>
      %dma_start3A_131 = tpu.memref_slice %arg3[%add3A_126] : memref<323584xi32, #tpu.memory_space<hbm>> -> memref<128xi32, #tpu.memory_space<hbm>>
      tpu.enqueue_dma source(%dma_start3A_131 : memref<128xi32, #tpu.memory_space<hbm>>) target(%arg8 : memref<128xi32, #tpu.memory_space<vmem>>) target_semaphore(%arg14 : memref<!tpu.dma_semaphore, #tpu.memory_space<semaphore_mem>>)
      %dma_start3A_132 = tpu.memref_slice %arg4[%add3A_126] : memref<323584xi32, #tpu.memory_space<hbm>> -> memref<128xi32, #tpu.memory_space<hbm>>
      %dma_start3A_133 = tpu.memref_slice %arg4[%add3A_126] : memref<323584xi32, #tpu.memory_space<hbm>> -> memref<128xi32, #tpu.memory_space<hbm>>
      tpu.enqueue_dma source(%dma_start3A_133 : memref<128xi32, #tpu.memory_space<hbm>>) target(%arg10 : memref<128xi32, #tpu.memory_space<vmem>>) target_semaphore(%arg16 : memref<!tpu.dma_semaphore, #tpu.memory_space<semaphore_mem>>)
      %dma_wait3A_134 = tpu.memref_slice %arg3[%add3A_126] : memref<323584xi32, #tpu.memory_space<hbm>> -> memref<128xi32, #tpu.memory_space<hbm>>
      %dma_wait3A_135 = tpu.memref_slice %arg3[%add3A_126] : memref<323584xi32, #tpu.memory_space<hbm>> -> memref<128xi32, #tpu.memory_space<hbm>>
      tpu.wait_dma2 semaphore(%arg14 : memref<!tpu.dma_semaphore, #tpu.memory_space<semaphore_mem>>) src(%dma_wait3A_135 : memref<128xi32, #tpu.memory_space<hbm>>) dst(%arg8 : memref<128xi32, #tpu.memory_space<vmem>>)
      %dma_wait3A_136 = tpu.memref_slice %arg4[%add3A_126] : memref<323584xi32, #tpu.memory_space<hbm>> -> memref<128xi32, #tpu.memory_space<hbm>>
      %dma_wait3A_137 = tpu.memref_slice %arg4[%add3A_126] : memref<323584xi32, #tpu.memory_space<hbm>> -> memref<128xi32, #tpu.memory_space<hbm>>
      tpu.wait_dma2 semaphore(%arg16 : memref<!tpu.dma_semaphore, #tpu.memory_space<semaphore_mem>>) src(%dma_wait3A_137 : memref<128xi32, #tpu.memory_space<hbm>>) dst(%arg10 : memref<128xi32, #tpu.memory_space<vmem>>)
      %dma_start3A_138 = arith.constant 0 : i32
      %dma_start3A_139 = arith.constant 0 : i32
      %dma_start3A_140 = tpu.memref_slice %arg2[%dma_start3A_138, %dma_start3A_139] : memref<10240x128xf32, #tpu.memory_space<hbm>> -> memref<10240x128xf32, #tpu.memory_space<hbm>>
      tpu.enqueue_indirect_dma source(%dma_start3A_140 : memref<10240x128xf32, #tpu.memory_space<hbm>>) target(%arg12 : memref<128x128xf32, #tpu.memory_space<vmem>>) offsets(%arg8 : memref<128xi32, #tpu.memory_space<vmem>>) semaphore(%arg18 : memref<!tpu.dma_semaphore, #tpu.memory_space<semaphore_mem>>)
      %dma_wait3A_141 = arith.constant 0 : i32
      %dma_wait3A_142 = arith.constant 0 : i32
      %dma_wait3A_143 = tpu.memref_slice %arg2[%dma_wait3A_141, %dma_wait3A_142] : memref<10240x128xf32, #tpu.memory_space<hbm>> -> memref<10240x128xf32, #tpu.memory_space<hbm>>
      tpu.wait_indirect_dma semaphore(%arg17 : memref<!tpu.dma_semaphore, #tpu.memory_space<semaphore_mem>>) src(%dma_wait3A_143 : memref<10240x128xf32, #tpu.memory_space<hbm>>) dst(%arg11 : memref<128x128xf32, #tpu.memory_space<vmem>>)
      %dma_start3A_144 = arith.constant 0 : i32
      %dma_start3A_145 = arith.constant 0 : i32
      %dma_start3A_146 = tpu.memref_slice %arg21[%dma_start3A_144, %dma_start3A_145] : memref<10240x128xf32, #tpu.memory_space<vmem_shared>> -> memref<10240x128xf32, #tpu.memory_space<vmem_shared>>
      tpu.enqueue_indirect_dma source(%arg11 : memref<128x128xf32, #tpu.memory_space<vmem>>) target(%dma_start3A_146 : memref<10240x128xf32, #tpu.memory_space<vmem_shared>>) offsets(%arg9 : memref<128xi32, #tpu.memory_space<vmem>>) semaphore(%arg19 : memref<!tpu.dma_semaphore, #tpu.memory_space<semaphore_mem>>) {add = true}
    }
    %scan3A_39 = arith.constant 38 : i32
    %add3A_40 = arith.constant 9984 : i32
    %add3A_41 = arith.addi %mul3A_8, %add3A_40 : i32
    %dma_wait3A_42 = arith.constant 0 : i32
    %dma_wait3A_43 = arith.constant 0 : i32
    %dma_wait3A_44 = tpu.memref_slice %arg21[%dma_wait3A_42, %dma_wait3A_43] : memref<10240x128xf32, #tpu.memory_space<vmem_shared>> -> memref<10240x128xf32, #tpu.memory_space<vmem_shared>>
    tpu.wait_indirect_dma semaphore(%arg19 : memref<!tpu.dma_semaphore, #tpu.memory_space<semaphore_mem>>) src(%arg11 : memref<128x128xf32, #tpu.memory_space<vmem>>) dst(%dma_wait3A_44 : memref<10240x128xf32, #tpu.memory_space<vmem_shared>>)
    %dma_start3A_45 = tpu.memref_slice %arg3[%add3A_41] : memref<323584xi32, #tpu.memory_space<hbm>> -> memref<128xi32, #tpu.memory_space<hbm>>
    %dma_start3A_46 = tpu.memref_slice %arg3[%add3A_41] : memref<323584xi32, #tpu.memory_space<hbm>> -> memref<128xi32, #tpu.memory_space<hbm>>
    tpu.enqueue_dma source(%dma_start3A_46 : memref<128xi32, #tpu.memory_space<hbm>>) target(%arg7 : memref<128xi32, #tpu.memory_space<vmem>>) target_semaphore(%arg13 : memref<!tpu.dma_semaphore, #tpu.memory_space<semaphore_mem>>)
    %dma_start3A_47 = tpu.memref_slice %arg4[%add3A_41] : memref<323584xi32, #tpu.memory_space<hbm>> -> memref<128xi32, #tpu.memory_space<hbm>>
    %dma_start3A_48 = tpu.memref_slice %arg4[%add3A_41] : memref<323584xi32, #tpu.memory_space<hbm>> -> memref<128xi32, #tpu.memory_space<hbm>>
    tpu.enqueue_dma source(%dma_start3A_48 : memref<128xi32, #tpu.memory_space<hbm>>) target(%arg9 : memref<128xi32, #tpu.memory_space<vmem>>) target_semaphore(%arg15 : memref<!tpu.dma_semaphore, #tpu.memory_space<semaphore_mem>>)
    %dma_wait3A_49 = tpu.memref_slice %arg3[%add3A_41] : memref<323584xi32, #tpu.memory_space<hbm>> -> memref<128xi32, #tpu.memory_space<hbm>>
    %dma_wait3A_50 = tpu.memref_slice %arg3[%add3A_41] : memref<323584xi32, #tpu.memory_space<hbm>> -> memref<128xi32, #tpu.memory_space<hbm>>
    tpu.wait_dma2 semaphore(%arg13 : memref<!tpu.dma_semaphore, #tpu.memory_space<semaphore_mem>>) src(%dma_wait3A_50 : memref<128xi32, #tpu.memory_space<hbm>>) dst(%arg7 : memref<128xi32, #tpu.memory_space<vmem>>)
    %dma_wait3A_51 = tpu.memref_slice %arg4[%add3A_41] : memref<323584xi32, #tpu.memory_space<hbm>> -> memref<128xi32, #tpu.memory_space<hbm>>
    %dma_wait3A_52 = tpu.memref_slice %arg4[%add3A_41] : memref<323584xi32, #tpu.memory_space<hbm>> -> memref<128xi32, #tpu.memory_space<hbm>>
    tpu.wait_dma2 semaphore(%arg15 : memref<!tpu.dma_semaphore, #tpu.memory_space<semaphore_mem>>) src(%dma_wait3A_52 : memref<128xi32, #tpu.memory_space<hbm>>) dst(%arg9 : memref<128xi32, #tpu.memory_space<vmem>>)
    %dma_start3A_53 = arith.constant 0 : i32
    %dma_start3A_54 = arith.constant 0 : i32
    %dma_start3A_55 = tpu.memref_slice %arg2[%dma_start3A_53, %dma_start3A_54] : memref<10240x128xf32, #tpu.memory_space<hbm>> -> memref<10240x128xf32, #tpu.memory_space<hbm>>
    tpu.enqueue_indirect_dma source(%dma_start3A_55 : memref<10240x128xf32, #tpu.memory_space<hbm>>) target(%arg11 : memref<128x128xf32, #tpu.memory_space<vmem>>) offsets(%arg7 : memref<128xi32, #tpu.memory_space<vmem>>) semaphore(%arg17 : memref<!tpu.dma_semaphore, #tpu.memory_space<semaphore_mem>>)
    %dma_wait3A_56 = arith.constant 0 : i32
    %dma_wait3A_57 = arith.constant 0 : i32
    %dma_wait3A_58 = tpu.memref_slice %arg2[%dma_wait3A_56, %dma_wait3A_57] : memref<10240x128xf32, #tpu.memory_space<hbm>> -> memref<10240x128xf32, #tpu.memory_space<hbm>>
    tpu.wait_indirect_dma semaphore(%arg18 : memref<!tpu.dma_semaphore, #tpu.memory_space<semaphore_mem>>) src(%dma_wait3A_58 : memref<10240x128xf32, #tpu.memory_space<hbm>>) dst(%arg12 : memref<128x128xf32, #tpu.memory_space<vmem>>)
    %dma_start3A_59 = arith.constant 0 : i32
    %dma_start3A_60 = arith.constant 0 : i32
    %dma_start3A_61 = tpu.memref_slice %arg21[%dma_start3A_59, %dma_start3A_60] : memref<10240x128xf32, #tpu.memory_space<vmem_shared>> -> memref<10240x128xf32, #tpu.memory_space<vmem_shared>>
    tpu.enqueue_indirect_dma source(%arg12 : memref<128x128xf32, #tpu.memory_space<vmem>>) target(%dma_start3A_61 : memref<10240x128xf32, #tpu.memory_space<vmem_shared>>) offsets(%arg10 : memref<128xi32, #tpu.memory_space<vmem>>) semaphore(%arg20 : memref<!tpu.dma_semaphore, #tpu.memory_space<semaphore_mem>>) {add = true}
    %dma_wait3A_62 = arith.constant 0 : i32
    %dma_wait3A_63 = arith.constant 0 : i32
    %dma_wait3A_64 = tpu.memref_slice %arg21[%dma_wait3A_62, %dma_wait3A_63] : memref<10240x128xf32, #tpu.memory_space<vmem_shared>> -> memref<10240x128xf32, #tpu.memory_space<vmem_shared>>
    tpu.wait_indirect_dma semaphore(%arg20 : memref<!tpu.dma_semaphore, #tpu.memory_space<semaphore_mem>>) src(%arg12 : memref<128x128xf32, #tpu.memory_space<vmem>>) dst(%dma_wait3A_64 : memref<10240x128xf32, #tpu.memory_space<vmem_shared>>)
    %dma_wait3A_65 = arith.constant 0 : i32
    %dma_wait3A_66 = arith.constant 0 : i32
    %dma_wait3A_67 = tpu.memref_slice %arg2[%dma_wait3A_65, %dma_wait3A_66] : memref<10240x128xf32, #tpu.memory_space<hbm>> -> memref<10240x128xf32, #tpu.memory_space<hbm>>
    tpu.wait_indirect_dma semaphore(%arg17 : memref<!tpu.dma_semaphore, #tpu.memory_space<semaphore_mem>>) src(%dma_wait3A_67 : memref<10240x128xf32, #tpu.memory_space<hbm>>) dst(%arg11 : memref<128x128xf32, #tpu.memory_space<vmem>>)
    %dma_start3A_68 = arith.constant 0 : i32
    %dma_start3A_69 = arith.constant 0 : i32
    %dma_start3A_70 = tpu.memref_slice %arg21[%dma_start3A_68, %dma_start3A_69] : memref<10240x128xf32, #tpu.memory_space<vmem_shared>> -> memref<10240x128xf32, #tpu.memory_space<vmem_shared>>
    tpu.enqueue_indirect_dma source(%arg11 : memref<128x128xf32, #tpu.memory_space<vmem>>) target(%dma_start3A_70 : memref<10240x128xf32, #tpu.memory_space<vmem_shared>>) offsets(%arg9 : memref<128xi32, #tpu.memory_space<vmem>>) semaphore(%arg19 : memref<!tpu.dma_semaphore, #tpu.memory_space<semaphore_mem>>) {add = true}
    %dma_wait3A_71 = arith.constant 0 : i32
    %dma_wait3A_72 = arith.constant 0 : i32
    %dma_wait3A_73 = tpu.memref_slice %arg21[%dma_wait3A_71, %dma_wait3A_72] : memref<10240x128xf32, #tpu.memory_space<vmem_shared>> -> memref<10240x128xf32, #tpu.memory_space<vmem_shared>>
    tpu.wait_indirect_dma semaphore(%arg19 : memref<!tpu.dma_semaphore, #tpu.memory_space<semaphore_mem>>) src(%arg11 : memref<128x128xf32, #tpu.memory_space<vmem>>) dst(%dma_wait3A_73 : memref<10240x128xf32, #tpu.memory_space<vmem_shared>>)
    %barrier3A_74 = arith.constant 0 : index
    tpu.barrier barrier_id(%barrier3A_74)
    %scan3A_75 = arith.constant 0 : i32
    %scan3A_76 = arith.constant 5 : i32
    %scan3A_77 = arith.addi %scan3A_75, %scan3A_76 : i32
    %scan3A_78 = arith.constant 1 : i32
    scf.for %scan3A_80 = %scan3A_75 to %scan3A_77 step %scan3A_78  : i32 {
      %mul3A_81 = arith.constant 1 : i32
      %mul3A_82 = arith.muli %scan3A_80, %mul3A_81 : i32
      %add3A_83 = arith.constant 0 : i32
      %add3A_84 = arith.addi %add3A_83, %mul3A_82 : i32
      %mul3A_85 = arith.constant 640 : i32
      %mul3A_86 = arith.muli %arg1, %mul3A_85 : i32
      %mul3A_87 = arith.constant 128 : i32
      %mul3A_88 = arith.muli %add3A_84, %mul3A_87 : i32
      %add3A_89 = arith.addi %mul3A_86, %mul3A_88 : i32
      "tpu.region"() ({
        %run_scoped3A = tpu.sem_alloc : memref<!tpu.dma_semaphore, #tpu.memory_space<semaphore_mem>>
        %dma_start3A_90 = arith.constant 0 : i32
        %dma_start3A_91 = tpu.memref_slice %arg6[%arg0, %add3A_89, %dma_start3A_90] : memref<2x10240x128xf32, #tpu.memory_space<hbm>> -> memref<1x128x128xf32, #tpu.memory_space<hbm>>
        %dma_start3A_92 = tpu.memref_squeeze %dma_start3A_91 : memref<1x128x128xf32, #tpu.memory_space<hbm>> -> memref<128x128xf32, #tpu.memory_space<hbm>>
        %dma_start3A_93 = arith.constant 0 : i32
        %dma_start3A_94 = tpu.memref_slice %arg21[%add3A_89, %dma_start3A_93] : memref<10240x128xf32, #tpu.memory_space<vmem_shared>> -> memref<128x128xf32, #tpu.memory_space<vmem_shared>>
        tpu.enqueue_dma source(%dma_start3A_94 : memref<128x128xf32, #tpu.memory_space<vmem_shared>>) target(%dma_start3A_92 : memref<128x128xf32, #tpu.memory_space<hbm>>) target_semaphore(%run_scoped3A : memref<!tpu.dma_semaphore, #tpu.memory_space<semaphore_mem>>)
        %dma_wait3A_95 = arith.constant 0 : i32
        %dma_wait3A_96 = tpu.memref_slice %arg6[%arg0, %add3A_89, %dma_wait3A_95] : memref<2x10240x128xf32, #tpu.memory_space<hbm>> -> memref<1x128x128xf32, #tpu.memory_space<hbm>>
        %dma_wait3A_97 = tpu.memref_squeeze %dma_wait3A_96 : memref<1x128x128xf32, #tpu.memory_space<hbm>> -> memref<128x128xf32, #tpu.memory_space<hbm>>
        %dma_wait3A_98 = arith.constant 0 : i32
        %dma_wait3A_99 = tpu.memref_slice %arg21[%add3A_89, %dma_wait3A_98] : memref<10240x128xf32, #tpu.memory_space<vmem_shared>> -> memref<128x128xf32, #tpu.memory_space<vmem_shared>>
        tpu.wait_dma2 semaphore(%run_scoped3A : memref<!tpu.dma_semaphore, #tpu.memory_space<semaphore_mem>>) src(%dma_wait3A_99 : memref<128x128xf32, #tpu.memory_space<vmem_shared>>) dst(%dma_wait3A_97 : memref<128x128xf32, #tpu.memory_space<hbm>>)
        tpu.yield
      }) : () -> ()
    }
    %scan3A_79 = arith.constant 5 : i32
    return
  }
}

#map = affine_map<(d0, d1) -> (0)>
#map1 = affine_map<(d0, d1) -> (0, 0)>
#map2 = affine_map<(d0, d1) -> (0, 0, 0)>
module attributes {stable_mosaic.version = 14 : i64} {
  func.func @_deg_kernel(%arg0: i32, %arg1: i32, %arg2: memref<323584xi32, #tpu.memory_space<hbm>>, %arg3: memref<128x128xf32, #tpu.memory_space<hbm>>, %arg4: memref<128x128xf32, #tpu.memory_space<hbm>>, %arg5: memref<2x10240x128xf32, #tpu.memory_space<hbm>>, %arg6: memref<128xi32, #tpu.memory_space<vmem>>, %arg7: memref<128xi32, #tpu.memory_space<vmem>>, %arg8: memref<128x128xf32, #tpu.memory_space<vmem>>, %arg9: memref<!tpu.dma_semaphore, #tpu.memory_space<semaphore_mem>>, %arg10: memref<!tpu.dma_semaphore, #tpu.memory_space<semaphore_mem>>, %arg11: memref<!tpu.dma_semaphore, #tpu.memory_space<semaphore_mem>>, %arg12: memref<!tpu.dma_semaphore, #tpu.memory_space<semaphore_mem>>, %arg13: memref<10240x128xf32, #tpu.memory_space<vmem_shared>>) attributes {dimension_semantics = [#tpu.dimension_semantics<core_parallel>, #tpu.dimension_semantics<subcore_parallel>], iteration_bounds = array<i64: 2, 16>, scalar_prefetch = 0 : i64, scratch_operands = 8 : i64, tpu.core_type = #tpu.core_type<sc_vector_subcore>, window_params = [{transform_indices = #map}, {transform_indices = #map1}, {transform_indices = #map1}, {transform_indices = #map2}]} {
    "tpu.region"() ({
      %run_scoped3A = tpu.sem_alloc : memref<!tpu.dma_semaphore, #tpu.memory_space<semaphore_mem>>
      %dma_start3A_52 = arith.constant 0 : i32
      %dma_start3A_53 = arith.constant 0 : i32
      %dma_start3A_54 = tpu.memref_slice %arg8[%dma_start3A_52, %dma_start3A_53] : memref<128x128xf32, #tpu.memory_space<vmem>> -> memref<128x128xf32, #tpu.memory_space<vmem>>
      %dma_start3A_55 = arith.constant 0 : i32
      %dma_start3A_56 = arith.constant 0 : i32
      %dma_start3A_57 = tpu.memref_slice %arg8[%dma_start3A_55, %dma_start3A_56] : memref<128x128xf32, #tpu.memory_space<vmem>> -> memref<128x128xf32, #tpu.memory_space<vmem>>
      tpu.enqueue_dma source(%arg4 : memref<128x128xf32, #tpu.memory_space<hbm>>) target(%dma_start3A_57 : memref<128x128xf32, #tpu.memory_space<vmem>>) target_semaphore(%run_scoped3A : memref<!tpu.dma_semaphore, #tpu.memory_space<semaphore_mem>>)
      %dma_wait3A_58 = arith.constant 0 : i32
      %dma_wait3A_59 = arith.constant 0 : i32
      %dma_wait3A_60 = tpu.memref_slice %arg8[%dma_wait3A_58, %dma_wait3A_59] : memref<128x128xf32, #tpu.memory_space<vmem>> -> memref<128x128xf32, #tpu.memory_space<vmem>>
      %dma_wait3A_61 = arith.constant 0 : i32
      %dma_wait3A_62 = arith.constant 0 : i32
      %dma_wait3A_63 = tpu.memref_slice %arg8[%dma_wait3A_61, %dma_wait3A_62] : memref<128x128xf32, #tpu.memory_space<vmem>> -> memref<128x128xf32, #tpu.memory_space<vmem>>
      tpu.wait_dma2 semaphore(%run_scoped3A : memref<!tpu.dma_semaphore, #tpu.memory_space<semaphore_mem>>) src(%arg4 : memref<128x128xf32, #tpu.memory_space<hbm>>) dst(%dma_wait3A_63 : memref<128x128xf32, #tpu.memory_space<vmem>>)
      tpu.yield
    }) : () -> ()
    %scan3A = arith.constant 0 : i32
    %scan3A_0 = arith.constant 5 : i32
    %scan3A_1 = arith.addi %scan3A, %scan3A_0 : i32
    %scan3A_2 = arith.constant 1 : i32
    scf.for %scan3A_52 = %scan3A to %scan3A_1 step %scan3A_2  : i32 {
      %mul3A_53 = arith.constant 1 : i32
      %mul3A_54 = arith.muli %scan3A_52, %mul3A_53 : i32
      %add3A_55 = arith.constant 0 : i32
      %add3A_56 = arith.addi %add3A_55, %mul3A_54 : i32
      %mul3A_57 = arith.constant 640 : i32
      %mul3A_58 = arith.muli %arg1, %mul3A_57 : i32
      %mul3A_59 = arith.constant 128 : i32
      %mul3A_60 = arith.muli %add3A_56, %mul3A_59 : i32
      %add3A_61 = arith.addi %mul3A_58, %mul3A_60 : i32
      "tpu.region"() ({
        %run_scoped3A = tpu.sem_alloc : memref<!tpu.dma_semaphore, #tpu.memory_space<semaphore_mem>>
        %dma_start3A_62 = arith.constant 0 : i32
        %dma_start3A_63 = arith.constant 0 : i32
        %dma_start3A_64 = tpu.memref_slice %arg8[%dma_start3A_62, %dma_start3A_63] : memref<128x128xf32, #tpu.memory_space<vmem>> -> memref<128x128xf32, #tpu.memory_space<vmem>>
        %dma_start3A_65 = arith.constant 0 : i32
        %dma_start3A_66 = tpu.memref_slice %arg13[%add3A_61, %dma_start3A_65] : memref<10240x128xf32, #tpu.memory_space<vmem_shared>> -> memref<128x128xf32, #tpu.memory_space<vmem_shared>>
        %dma_start3A_67 = arith.constant 0 : i32
        %dma_start3A_68 = tpu.memref_slice %arg13[%add3A_61, %dma_start3A_67] : memref<10240x128xf32, #tpu.memory_space<vmem_shared>> -> memref<128x128xf32, #tpu.memory_space<vmem_shared>>
        %dma_start3A_69 = arith.constant 0 : i32
        %dma_start3A_70 = arith.constant 0 : i32
        %dma_start3A_71 = tpu.memref_slice %arg8[%dma_start3A_69, %dma_start3A_70] : memref<128x128xf32, #tpu.memory_space<vmem>> -> memref<128x128xf32, #tpu.memory_space<vmem>>
        tpu.enqueue_dma source(%dma_start3A_71 : memref<128x128xf32, #tpu.memory_space<vmem>>) target(%dma_start3A_68 : memref<128x128xf32, #tpu.memory_space<vmem_shared>>) target_semaphore(%run_scoped3A : memref<!tpu.dma_semaphore, #tpu.memory_space<semaphore_mem>>)
        %dma_wait3A_72 = arith.constant 0 : i32
        %dma_wait3A_73 = arith.constant 0 : i32
        %dma_wait3A_74 = tpu.memref_slice %arg8[%dma_wait3A_72, %dma_wait3A_73] : memref<128x128xf32, #tpu.memory_space<vmem>> -> memref<128x128xf32, #tpu.memory_space<vmem>>
        %dma_wait3A_75 = arith.constant 0 : i32
        %dma_wait3A_76 = tpu.memref_slice %arg13[%add3A_61, %dma_wait3A_75] : memref<10240x128xf32, #tpu.memory_space<vmem_shared>> -> memref<128x128xf32, #tpu.memory_space<vmem_shared>>
        %dma_wait3A_77 = arith.constant 0 : i32
        %dma_wait3A_78 = tpu.memref_slice %arg13[%add3A_61, %dma_wait3A_77] : memref<10240x128xf32, #tpu.memory_space<vmem_shared>> -> memref<128x128xf32, #tpu.memory_space<vmem_shared>>
        %dma_wait3A_79 = arith.constant 0 : i32
        %dma_wait3A_80 = arith.constant 0 : i32
        %dma_wait3A_81 = tpu.memref_slice %arg8[%dma_wait3A_79, %dma_wait3A_80] : memref<128x128xf32, #tpu.memory_space<vmem>> -> memref<128x128xf32, #tpu.memory_space<vmem>>
        tpu.wait_dma2 semaphore(%run_scoped3A : memref<!tpu.dma_semaphore, #tpu.memory_space<semaphore_mem>>) src(%dma_wait3A_81 : memref<128x128xf32, #tpu.memory_space<vmem>>) dst(%dma_wait3A_78 : memref<128x128xf32, #tpu.memory_space<vmem_shared>>)
        tpu.yield
      }) : () -> ()
    }
    %scan3A_3 = arith.constant 5 : i32
    "tpu.region"() ({
      %run_scoped3A = tpu.sem_alloc : memref<!tpu.dma_semaphore, #tpu.memory_space<semaphore_mem>>
      tpu.enqueue_dma source(%arg3 : memref<128x128xf32, #tpu.memory_space<hbm>>) target(%arg8 : memref<128x128xf32, #tpu.memory_space<vmem>>) target_semaphore(%run_scoped3A : memref<!tpu.dma_semaphore, #tpu.memory_space<semaphore_mem>>)
      tpu.wait_dma2 semaphore(%run_scoped3A : memref<!tpu.dma_semaphore, #tpu.memory_space<semaphore_mem>>) src(%arg3 : memref<128x128xf32, #tpu.memory_space<hbm>>) dst(%arg8 : memref<128x128xf32, #tpu.memory_space<vmem>>)
      tpu.yield
    }) : () -> ()
    %barrier3A = arith.constant 0 : index
    tpu.barrier barrier_id(%barrier3A)
    %mul3A = arith.constant 1264 : i32
    %mul3A_4 = arith.muli %arg0, %mul3A : i32
    %mul3A_5 = arith.constant 79 : i32
    %mul3A_6 = arith.muli %arg1, %mul3A_5 : i32
    %add3A = arith.addi %mul3A_4, %mul3A_6 : i32
    %mul3A_7 = arith.constant 128 : i32
    %mul3A_8 = arith.muli %add3A, %mul3A_7 : i32
    "tpu.region"() ({
      %run_scoped3A = tpu.sem_alloc : memref<!tpu.dma_semaphore, #tpu.memory_space<semaphore_mem>>
      %dma_start3A_52 = tpu.memref_slice %arg2[%mul3A_8] : memref<323584xi32, #tpu.memory_space<hbm>> -> memref<128xi32, #tpu.memory_space<hbm>>
      %dma_start3A_53 = tpu.memref_slice %arg2[%mul3A_8] : memref<323584xi32, #tpu.memory_space<hbm>> -> memref<128xi32, #tpu.memory_space<hbm>>
      tpu.enqueue_dma source(%dma_start3A_53 : memref<128xi32, #tpu.memory_space<hbm>>) target(%arg6 : memref<128xi32, #tpu.memory_space<vmem>>) target_semaphore(%run_scoped3A : memref<!tpu.dma_semaphore, #tpu.memory_space<semaphore_mem>>)
      %dma_wait3A_54 = tpu.memref_slice %arg2[%mul3A_8] : memref<323584xi32, #tpu.memory_space<hbm>> -> memref<128xi32, #tpu.memory_space<hbm>>
      %dma_wait3A_55 = tpu.memref_slice %arg2[%mul3A_8] : memref<323584xi32, #tpu.memory_space<hbm>> -> memref<128xi32, #tpu.memory_space<hbm>>
      tpu.wait_dma2 semaphore(%run_scoped3A : memref<!tpu.dma_semaphore, #tpu.memory_space<semaphore_mem>>) src(%dma_wait3A_55 : memref<128xi32, #tpu.memory_space<hbm>>) dst(%arg6 : memref<128xi32, #tpu.memory_space<vmem>>)
      tpu.yield
    }) : () -> ()
    %dma_start3A = arith.constant 0 : i32
    %dma_start3A_9 = arith.constant 0 : i32
    %dma_start3A_10 = tpu.memref_slice %arg13[%dma_start3A, %dma_start3A_9] : memref<10240x128xf32, #tpu.memory_space<vmem_shared>> -> memref<10240x128xf32, #tpu.memory_space<vmem_shared>>
    tpu.enqueue_indirect_dma source(%arg8 : memref<128x128xf32, #tpu.memory_space<vmem>>) target(%dma_start3A_10 : memref<10240x128xf32, #tpu.memory_space<vmem_shared>>) offsets(%arg6 : memref<128xi32, #tpu.memory_space<vmem>>) semaphore(%arg11 : memref<!tpu.dma_semaphore, #tpu.memory_space<semaphore_mem>>) {add = true}
    %add3A_11 = arith.constant 128 : i32
    %add3A_12 = arith.addi %mul3A_8, %add3A_11 : i32
    %dma_start3A_13 = tpu.memref_slice %arg2[%add3A_12] : memref<323584xi32, #tpu.memory_space<hbm>> -> memref<128xi32, #tpu.memory_space<hbm>>
    %dma_start3A_14 = tpu.memref_slice %arg2[%add3A_12] : memref<323584xi32, #tpu.memory_space<hbm>> -> memref<128xi32, #tpu.memory_space<hbm>>
    tpu.enqueue_dma source(%dma_start3A_14 : memref<128xi32, #tpu.memory_space<hbm>>) target(%arg7 : memref<128xi32, #tpu.memory_space<vmem>>) target_semaphore(%arg10 : memref<!tpu.dma_semaphore, #tpu.memory_space<semaphore_mem>>)
    %scan3A_15 = arith.constant 0 : i32
    %scan3A_16 = arith.constant 38 : i32
    %scan3A_17 = arith.addi %scan3A_15, %scan3A_16 : i32
    %scan3A_18 = arith.constant 1 : i32
    scf.for %scan3A_52 = %scan3A_15 to %scan3A_17 step %scan3A_18  : i32 {
      %mul3A_53 = arith.constant 1 : i32
      %mul3A_54 = arith.muli %scan3A_52, %mul3A_53 : i32
      %add3A_55 = arith.constant 0 : i32
      %add3A_56 = arith.addi %add3A_55, %mul3A_54 : i32
      %mul3A_57 = arith.constant 2 : i32
      %mul3A_58 = arith.muli %add3A_56, %mul3A_57 : i32
      %add3A_59 = arith.constant 1 : i32
      %add3A_60 = arith.addi %add3A_59, %mul3A_58 : i32
      %add3A_61 = arith.constant 0 : i32
      %add3A_62 = arith.addi %add3A_60, %add3A_61 : i32
      %mul3A_63 = arith.constant 128 : i32
      %mul3A_64 = arith.muli %add3A_62, %mul3A_63 : i32
      %add3A_65 = arith.addi %mul3A_8, %mul3A_64 : i32
      %dma_wait3A_66 = tpu.memref_slice %arg2[%add3A_65] : memref<323584xi32, #tpu.memory_space<hbm>> -> memref<128xi32, #tpu.memory_space<hbm>>
      %dma_wait3A_67 = tpu.memref_slice %arg2[%add3A_65] : memref<323584xi32, #tpu.memory_space<hbm>> -> memref<128xi32, #tpu.memory_space<hbm>>
      tpu.wait_dma2 semaphore(%arg10 : memref<!tpu.dma_semaphore, #tpu.memory_space<semaphore_mem>>) src(%dma_wait3A_67 : memref<128xi32, #tpu.memory_space<hbm>>) dst(%arg7 : memref<128xi32, #tpu.memory_space<vmem>>)
      %dma_start3A_68 = arith.constant 0 : i32
      %dma_start3A_69 = arith.constant 0 : i32
      %dma_start3A_70 = tpu.memref_slice %arg13[%dma_start3A_68, %dma_start3A_69] : memref<10240x128xf32, #tpu.memory_space<vmem_shared>> -> memref<10240x128xf32, #tpu.memory_space<vmem_shared>>
      tpu.enqueue_indirect_dma source(%arg8 : memref<128x128xf32, #tpu.memory_space<vmem>>) target(%dma_start3A_70 : memref<10240x128xf32, #tpu.memory_space<vmem_shared>>) offsets(%arg7 : memref<128xi32, #tpu.memory_space<vmem>>) semaphore(%arg12 : memref<!tpu.dma_semaphore, #tpu.memory_space<semaphore_mem>>) {add = true}
      %dma_wait3A_71 = arith.constant 0 : i32
      %dma_wait3A_72 = arith.constant 0 : i32
      %dma_wait3A_73 = tpu.memref_slice %arg13[%dma_wait3A_71, %dma_wait3A_72] : memref<10240x128xf32, #tpu.memory_space<vmem_shared>> -> memref<10240x128xf32, #tpu.memory_space<vmem_shared>>
      tpu.wait_indirect_dma semaphore(%arg11 : memref<!tpu.dma_semaphore, #tpu.memory_space<semaphore_mem>>) src(%arg8 : memref<128x128xf32, #tpu.memory_space<vmem>>) dst(%dma_wait3A_73 : memref<10240x128xf32, #tpu.memory_space<vmem_shared>>)
      %add3A_74 = arith.constant 1 : i32
      %add3A_75 = arith.addi %add3A_62, %add3A_74 : i32
      %mul3A_76 = arith.constant 128 : i32
      %mul3A_77 = arith.muli %add3A_75, %mul3A_76 : i32
      %add3A_78 = arith.addi %mul3A_8, %mul3A_77 : i32
      %dma_start3A_79 = tpu.memref_slice %arg2[%add3A_78] : memref<323584xi32, #tpu.memory_space<hbm>> -> memref<128xi32, #tpu.memory_space<hbm>>
      %dma_start3A_80 = tpu.memref_slice %arg2[%add3A_78] : memref<323584xi32, #tpu.memory_space<hbm>> -> memref<128xi32, #tpu.memory_space<hbm>>
      tpu.enqueue_dma source(%dma_start3A_80 : memref<128xi32, #tpu.memory_space<hbm>>) target(%arg6 : memref<128xi32, #tpu.memory_space<vmem>>) target_semaphore(%arg9 : memref<!tpu.dma_semaphore, #tpu.memory_space<semaphore_mem>>)
      %mul3A_81 = arith.constant 2 : i32
      %mul3A_82 = arith.muli %add3A_56, %mul3A_81 : i32
      %add3A_83 = arith.constant 1 : i32
      %add3A_84 = arith.addi %add3A_83, %mul3A_82 : i32
      %add3A_85 = arith.constant 1 : i32
      %add3A_86 = arith.addi %add3A_84, %add3A_85 : i32
      %mul3A_87 = arith.constant 128 : i32
      %mul3A_88 = arith.muli %add3A_86, %mul3A_87 : i32
      %add3A_89 = arith.addi %mul3A_8, %mul3A_88 : i32
      %dma_wait3A_90 = tpu.memref_slice %arg2[%add3A_89] : memref<323584xi32, #tpu.memory_space<hbm>> -> memref<128xi32, #tpu.memory_space<hbm>>
      %dma_wait3A_91 = tpu.memref_slice %arg2[%add3A_89] : memref<323584xi32, #tpu.memory_space<hbm>> -> memref<128xi32, #tpu.memory_space<hbm>>
      tpu.wait_dma2 semaphore(%arg9 : memref<!tpu.dma_semaphore, #tpu.memory_space<semaphore_mem>>) src(%dma_wait3A_91 : memref<128xi32, #tpu.memory_space<hbm>>) dst(%arg6 : memref<128xi32, #tpu.memory_space<vmem>>)
      %dma_start3A_92 = arith.constant 0 : i32
      %dma_start3A_93 = arith.constant 0 : i32
      %dma_start3A_94 = tpu.memref_slice %arg13[%dma_start3A_92, %dma_start3A_93] : memref<10240x128xf32, #tpu.memory_space<vmem_shared>> -> memref<10240x128xf32, #tpu.memory_space<vmem_shared>>
      tpu.enqueue_indirect_dma source(%arg8 : memref<128x128xf32, #tpu.memory_space<vmem>>) target(%dma_start3A_94 : memref<10240x128xf32, #tpu.memory_space<vmem_shared>>) offsets(%arg6 : memref<128xi32, #tpu.memory_space<vmem>>) semaphore(%arg11 : memref<!tpu.dma_semaphore, #tpu.memory_space<semaphore_mem>>) {add = true}
      %dma_wait3A_95 = arith.constant 0 : i32
      %dma_wait3A_96 = arith.constant 0 : i32
      %dma_wait3A_97 = tpu.memref_slice %arg13[%dma_wait3A_95, %dma_wait3A_96] : memref<10240x128xf32, #tpu.memory_space<vmem_shared>> -> memref<10240x128xf32, #tpu.memory_space<vmem_shared>>
      tpu.wait_indirect_dma semaphore(%arg12 : memref<!tpu.dma_semaphore, #tpu.memory_space<semaphore_mem>>) src(%arg8 : memref<128x128xf32, #tpu.memory_space<vmem>>) dst(%dma_wait3A_97 : memref<10240x128xf32, #tpu.memory_space<vmem_shared>>)
      %add3A_98 = arith.constant 1 : i32
      %add3A_99 = arith.addi %add3A_86, %add3A_98 : i32
      %mul3A_100 = arith.constant 128 : i32
      %mul3A_101 = arith.muli %add3A_99, %mul3A_100 : i32
      %add3A_102 = arith.addi %mul3A_8, %mul3A_101 : i32
      %dma_start3A_103 = tpu.memref_slice %arg2[%add3A_102] : memref<323584xi32, #tpu.memory_space<hbm>> -> memref<128xi32, #tpu.memory_space<hbm>>
      %dma_start3A_104 = tpu.memref_slice %arg2[%add3A_102] : memref<323584xi32, #tpu.memory_space<hbm>> -> memref<128xi32, #tpu.memory_space<hbm>>
      tpu.enqueue_dma source(%dma_start3A_104 : memref<128xi32, #tpu.memory_space<hbm>>) target(%arg7 : memref<128xi32, #tpu.memory_space<vmem>>) target_semaphore(%arg10 : memref<!tpu.dma_semaphore, #tpu.memory_space<semaphore_mem>>)
    }
    %scan3A_19 = arith.constant 38 : i32
    %add3A_20 = arith.constant 9856 : i32
    %add3A_21 = arith.addi %mul3A_8, %add3A_20 : i32
    %dma_wait3A = tpu.memref_slice %arg2[%add3A_21] : memref<323584xi32, #tpu.memory_space<hbm>> -> memref<128xi32, #tpu.memory_space<hbm>>
    %dma_wait3A_22 = tpu.memref_slice %arg2[%add3A_21] : memref<323584xi32, #tpu.memory_space<hbm>> -> memref<128xi32, #tpu.memory_space<hbm>>
    tpu.wait_dma2 semaphore(%arg10 : memref<!tpu.dma_semaphore, #tpu.memory_space<semaphore_mem>>) src(%dma_wait3A_22 : memref<128xi32, #tpu.memory_space<hbm>>) dst(%arg7 : memref<128xi32, #tpu.memory_space<vmem>>)
    %dma_start3A_23 = arith.constant 0 : i32
    %dma_start3A_24 = arith.constant 0 : i32
    %dma_start3A_25 = tpu.memref_slice %arg13[%dma_start3A_23, %dma_start3A_24] : memref<10240x128xf32, #tpu.memory_space<vmem_shared>> -> memref<10240x128xf32, #tpu.memory_space<vmem_shared>>
    tpu.enqueue_indirect_dma source(%arg8 : memref<128x128xf32, #tpu.memory_space<vmem>>) target(%dma_start3A_25 : memref<10240x128xf32, #tpu.memory_space<vmem_shared>>) offsets(%arg7 : memref<128xi32, #tpu.memory_space<vmem>>) semaphore(%arg12 : memref<!tpu.dma_semaphore, #tpu.memory_space<semaphore_mem>>) {add = true}
    %dma_wait3A_26 = arith.constant 0 : i32
    %dma_wait3A_27 = arith.constant 0 : i32
    %dma_wait3A_28 = tpu.memref_slice %arg13[%dma_wait3A_26, %dma_wait3A_27] : memref<10240x128xf32, #tpu.memory_space<vmem_shared>> -> memref<10240x128xf32, #tpu.memory_space<vmem_shared>>
    tpu.wait_indirect_dma semaphore(%arg11 : memref<!tpu.dma_semaphore, #tpu.memory_space<semaphore_mem>>) src(%arg8 : memref<128x128xf32, #tpu.memory_space<vmem>>) dst(%dma_wait3A_28 : memref<10240x128xf32, #tpu.memory_space<vmem_shared>>)
    %add3A_29 = arith.constant 9984 : i32
    %add3A_30 = arith.addi %mul3A_8, %add3A_29 : i32
    %dma_start3A_31 = tpu.memref_slice %arg2[%add3A_30] : memref<323584xi32, #tpu.memory_space<hbm>> -> memref<128xi32, #tpu.memory_space<hbm>>
    %dma_start3A_32 = tpu.memref_slice %arg2[%add3A_30] : memref<323584xi32, #tpu.memory_space<hbm>> -> memref<128xi32, #tpu.memory_space<hbm>>
    tpu.enqueue_dma source(%dma_start3A_32 : memref<128xi32, #tpu.memory_space<hbm>>) target(%arg6 : memref<128xi32, #tpu.memory_space<vmem>>) target_semaphore(%arg9 : memref<!tpu.dma_semaphore, #tpu.memory_space<semaphore_mem>>)
    %add3A_33 = arith.constant 9984 : i32
    %add3A_34 = arith.addi %mul3A_8, %add3A_33 : i32
    %dma_wait3A_35 = tpu.memref_slice %arg2[%add3A_34] : memref<323584xi32, #tpu.memory_space<hbm>> -> memref<128xi32, #tpu.memory_space<hbm>>
    %dma_wait3A_36 = tpu.memref_slice %arg2[%add3A_34] : memref<323584xi32, #tpu.memory_space<hbm>> -> memref<128xi32, #tpu.memory_space<hbm>>
    tpu.wait_dma2 semaphore(%arg9 : memref<!tpu.dma_semaphore, #tpu.memory_space<semaphore_mem>>) src(%dma_wait3A_36 : memref<128xi32, #tpu.memory_space<hbm>>) dst(%arg6 : memref<128xi32, #tpu.memory_space<vmem>>)
    %dma_start3A_37 = arith.constant 0 : i32
    %dma_start3A_38 = arith.constant 0 : i32
    %dma_start3A_39 = tpu.memref_slice %arg13[%dma_start3A_37, %dma_start3A_38] : memref<10240x128xf32, #tpu.memory_space<vmem_shared>> -> memref<10240x128xf32, #tpu.memory_space<vmem_shared>>
    tpu.enqueue_indirect_dma source(%arg8 : memref<128x128xf32, #tpu.memory_space<vmem>>) target(%dma_start3A_39 : memref<10240x128xf32, #tpu.memory_space<vmem_shared>>) offsets(%arg6 : memref<128xi32, #tpu.memory_space<vmem>>) semaphore(%arg11 : memref<!tpu.dma_semaphore, #tpu.memory_space<semaphore_mem>>) {add = true}
    %dma_wait3A_40 = arith.constant 0 : i32
    %dma_wait3A_41 = arith.constant 0 : i32
    %dma_wait3A_42 = tpu.memref_slice %arg13[%dma_wait3A_40, %dma_wait3A_41] : memref<10240x128xf32, #tpu.memory_space<vmem_shared>> -> memref<10240x128xf32, #tpu.memory_space<vmem_shared>>
    tpu.wait_indirect_dma semaphore(%arg12 : memref<!tpu.dma_semaphore, #tpu.memory_space<semaphore_mem>>) src(%arg8 : memref<128x128xf32, #tpu.memory_space<vmem>>) dst(%dma_wait3A_42 : memref<10240x128xf32, #tpu.memory_space<vmem_shared>>)
    %dma_wait3A_43 = arith.constant 0 : i32
    %dma_wait3A_44 = arith.constant 0 : i32
    %dma_wait3A_45 = tpu.memref_slice %arg13[%dma_wait3A_43, %dma_wait3A_44] : memref<10240x128xf32, #tpu.memory_space<vmem_shared>> -> memref<10240x128xf32, #tpu.memory_space<vmem_shared>>
    tpu.wait_indirect_dma semaphore(%arg11 : memref<!tpu.dma_semaphore, #tpu.memory_space<semaphore_mem>>) src(%arg8 : memref<128x128xf32, #tpu.memory_space<vmem>>) dst(%dma_wait3A_45 : memref<10240x128xf32, #tpu.memory_space<vmem_shared>>)
    %barrier3A_46 = arith.constant 0 : index
    tpu.barrier barrier_id(%barrier3A_46)
    %scan3A_47 = arith.constant 0 : i32
    %scan3A_48 = arith.constant 5 : i32
    %scan3A_49 = arith.addi %scan3A_47, %scan3A_48 : i32
    %scan3A_50 = arith.constant 1 : i32
    scf.for %scan3A_52 = %scan3A_47 to %scan3A_49 step %scan3A_50  : i32 {
      %mul3A_53 = arith.constant 1 : i32
      %mul3A_54 = arith.muli %scan3A_52, %mul3A_53 : i32
      %add3A_55 = arith.constant 0 : i32
      %add3A_56 = arith.addi %add3A_55, %mul3A_54 : i32
      %mul3A_57 = arith.constant 640 : i32
      %mul3A_58 = arith.muli %arg1, %mul3A_57 : i32
      %mul3A_59 = arith.constant 128 : i32
      %mul3A_60 = arith.muli %add3A_56, %mul3A_59 : i32
      %add3A_61 = arith.addi %mul3A_58, %mul3A_60 : i32
      "tpu.region"() ({
        %run_scoped3A = tpu.sem_alloc : memref<!tpu.dma_semaphore, #tpu.memory_space<semaphore_mem>>
        %dma_start3A_62 = arith.constant 0 : i32
        %dma_start3A_63 = tpu.memref_slice %arg5[%arg0, %add3A_61, %dma_start3A_62] : memref<2x10240x128xf32, #tpu.memory_space<hbm>> -> memref<1x128x128xf32, #tpu.memory_space<hbm>>
        %dma_start3A_64 = tpu.memref_squeeze %dma_start3A_63 : memref<1x128x128xf32, #tpu.memory_space<hbm>> -> memref<128x128xf32, #tpu.memory_space<hbm>>
        %dma_start3A_65 = arith.constant 0 : i32
        %dma_start3A_66 = tpu.memref_slice %arg13[%add3A_61, %dma_start3A_65] : memref<10240x128xf32, #tpu.memory_space<vmem_shared>> -> memref<128x128xf32, #tpu.memory_space<vmem_shared>>
        tpu.enqueue_dma source(%dma_start3A_66 : memref<128x128xf32, #tpu.memory_space<vmem_shared>>) target(%dma_start3A_64 : memref<128x128xf32, #tpu.memory_space<hbm>>) target_semaphore(%run_scoped3A : memref<!tpu.dma_semaphore, #tpu.memory_space<semaphore_mem>>)
        %dma_wait3A_67 = arith.constant 0 : i32
        %dma_wait3A_68 = tpu.memref_slice %arg5[%arg0, %add3A_61, %dma_wait3A_67] : memref<2x10240x128xf32, #tpu.memory_space<hbm>> -> memref<1x128x128xf32, #tpu.memory_space<hbm>>
        %dma_wait3A_69 = tpu.memref_squeeze %dma_wait3A_68 : memref<1x128x128xf32, #tpu.memory_space<hbm>> -> memref<128x128xf32, #tpu.memory_space<hbm>>
        %dma_wait3A_70 = arith.constant 0 : i32
        %dma_wait3A_71 = tpu.memref_slice %arg13[%add3A_61, %dma_wait3A_70] : memref<10240x128xf32, #tpu.memory_space<vmem_shared>> -> memref<128x128xf32, #tpu.memory_space<vmem_shared>>
        tpu.wait_dma2 semaphore(%run_scoped3A : memref<!tpu.dma_semaphore, #tpu.memory_space<semaphore_mem>>) src(%dma_wait3A_71 : memref<128x128xf32, #tpu.memory_space<vmem_shared>>) dst(%dma_wait3A_69 : memref<128x128xf32, #tpu.memory_space<hbm>>)
        tpu.yield
      }) : () -> ()
    }
    %scan3A_51 = arith.constant 5 : i32
    return
  }
}

#map = affine_map<(d0, d1) -> (0, 0)>
#map1 = affine_map<(d0, d1) -> (0)>
#map2 = affine_map<(d0, d1) -> (0, 0, 0)>
module attributes {stable_mosaic.version = 14 : i64} {
  func.func @_edge_kernel(%arg0: i32, %arg1: i32, %arg2: memref<10240x128xf32, #tpu.memory_space<hbm>>, %arg3: memref<323584xi32, #tpu.memory_space<hbm>>, %arg4: memref<323584xi32, #tpu.memory_space<hbm>>, %arg5: memref<128x128xf32, #tpu.memory_space<hbm>>, %arg6: memref<2x10240x128xf32, #tpu.memory_space<hbm>>, %arg7: memref<128xi32, #tpu.memory_space<vmem>>, %arg8: memref<128xi32, #tpu.memory_space<vmem>>, %arg9: memref<128xi32, #tpu.memory_space<vmem>>, %arg10: memref<128xi32, #tpu.memory_space<vmem>>, %arg11: memref<128x128xf32, #tpu.memory_space<vmem>>, %arg12: memref<128x128xf32, #tpu.memory_space<vmem>>, %arg13: memref<!tpu.dma_semaphore, #tpu.memory_space<semaphore_mem>>, %arg14: memref<!tpu.dma_semaphore, #tpu.memory_space<semaphore_mem>>, %arg15: memref<!tpu.dma_semaphore, #tpu.memory_space<semaphore_mem>>, %arg16: memref<!tpu.dma_semaphore, #tpu.memory_space<semaphore_mem>>, %arg17: memref<!tpu.dma_semaphore, #tpu.memory_space<semaphore_mem>>, %arg18: memref<!tpu.dma_semaphore, #tpu.memory_space<semaphore_mem>>, %arg19: memref<!tpu.dma_semaphore, #tpu.memory_space<semaphore_mem>>, %arg20: memref<!tpu.dma_semaphore, #tpu.memory_space<semaphore_mem>>, %arg21: memref<10240x128xf32, #tpu.memory_space<vmem_shared>>) attributes {dimension_semantics = [#tpu.dimension_semantics<core_parallel>, #tpu.dimension_semantics<subcore_parallel>], iteration_bounds = array<i64: 2, 16>, scalar_prefetch = 0 : i64, scratch_operands = 15 : i64, tpu.core_type = #tpu.core_type<sc_vector_subcore>, window_params = [{transform_indices = #map}, {transform_indices = #map1}, {transform_indices = #map1}, {transform_indices = #map}, {transform_indices = #map2}]} {
    "tpu.region"() ({
      %run_scoped3A = tpu.sem_alloc : memref<!tpu.dma_semaphore, #tpu.memory_space<semaphore_mem>>
      %dma_start3A_80 = arith.constant 0 : i32
      %dma_start3A_81 = arith.constant 0 : i32
      %dma_start3A_82 = tpu.memref_slice %arg11[%dma_start3A_80, %dma_start3A_81] : memref<128x128xf32, #tpu.memory_space<vmem>> -> memref<128x128xf32, #tpu.memory_space<vmem>>
      %dma_start3A_83 = arith.constant 0 : i32
      %dma_start3A_84 = arith.constant 0 : i32
      %dma_start3A_85 = tpu.memref_slice %arg11[%dma_start3A_83, %dma_start3A_84] : memref<128x128xf32, #tpu.memory_space<vmem>> -> memref<128x128xf32, #tpu.memory_space<vmem>>
      tpu.enqueue_dma source(%arg5 : memref<128x128xf32, #tpu.memory_space<hbm>>) target(%dma_start3A_85 : memref<128x128xf32, #tpu.memory_space<vmem>>) target_semaphore(%run_scoped3A : memref<!tpu.dma_semaphore, #tpu.memory_space<semaphore_mem>>)
      %dma_wait3A_86 = arith.constant 0 : i32
      %dma_wait3A_87 = arith.constant 0 : i32
      %dma_wait3A_88 = tpu.memref_slice %arg11[%dma_wait3A_86, %dma_wait3A_87] : memref<128x128xf32, #tpu.memory_space<vmem>> -> memref<128x128xf32, #tpu.memory_space<vmem>>
      %dma_wait3A_89 = arith.constant 0 : i32
      %dma_wait3A_90 = arith.constant 0 : i32
      %dma_wait3A_91 = tpu.memref_slice %arg11[%dma_wait3A_89, %dma_wait3A_90] : memref<128x128xf32, #tpu.memory_space<vmem>> -> memref<128x128xf32, #tpu.memory_space<vmem>>
      tpu.wait_dma2 semaphore(%run_scoped3A : memref<!tpu.dma_semaphore, #tpu.memory_space<semaphore_mem>>) src(%arg5 : memref<128x128xf32, #tpu.memory_space<hbm>>) dst(%dma_wait3A_91 : memref<128x128xf32, #tpu.memory_space<vmem>>)
      tpu.yield
    }) : () -> ()
    %scan3A = arith.constant 0 : i32
    %scan3A_0 = arith.constant 5 : i32
    %scan3A_1 = arith.addi %scan3A, %scan3A_0 : i32
    %scan3A_2 = arith.constant 1 : i32
    scf.for %scan3A_80 = %scan3A to %scan3A_1 step %scan3A_2  : i32 {
      %mul3A_81 = arith.constant 1 : i32
      %mul3A_82 = arith.muli %scan3A_80, %mul3A_81 : i32
      %add3A_83 = arith.constant 0 : i32
      %add3A_84 = arith.addi %add3A_83, %mul3A_82 : i32
      %mul3A_85 = arith.constant 640 : i32
      %mul3A_86 = arith.muli %arg1, %mul3A_85 : i32
      %mul3A_87 = arith.constant 128 : i32
      %mul3A_88 = arith.muli %add3A_84, %mul3A_87 : i32
      %add3A_89 = arith.addi %mul3A_86, %mul3A_88 : i32
      "tpu.region"() ({
        %run_scoped3A = tpu.sem_alloc : memref<!tpu.dma_semaphore, #tpu.memory_space<semaphore_mem>>
        %dma_start3A_90 = arith.constant 0 : i32
        %dma_start3A_91 = arith.constant 0 : i32
        %dma_start3A_92 = tpu.memref_slice %arg11[%dma_start3A_90, %dma_start3A_91] : memref<128x128xf32, #tpu.memory_space<vmem>> -> memref<128x128xf32, #tpu.memory_space<vmem>>
        %dma_start3A_93 = arith.constant 0 : i32
        %dma_start3A_94 = tpu.memref_slice %arg21[%add3A_89, %dma_start3A_93] : memref<10240x128xf32, #tpu.memory_space<vmem_shared>> -> memref<128x128xf32, #tpu.memory_space<vmem_shared>>
        %dma_start3A_95 = arith.constant 0 : i32
        %dma_start3A_96 = tpu.memref_slice %arg21[%add3A_89, %dma_start3A_95] : memref<10240x128xf32, #tpu.memory_space<vmem_shared>> -> memref<128x128xf32, #tpu.memory_space<vmem_shared>>
        %dma_start3A_97 = arith.constant 0 : i32
        %dma_start3A_98 = arith.constant 0 : i32
        %dma_start3A_99 = tpu.memref_slice %arg11[%dma_start3A_97, %dma_start3A_98] : memref<128x128xf32, #tpu.memory_space<vmem>> -> memref<128x128xf32, #tpu.memory_space<vmem>>
        tpu.enqueue_dma source(%dma_start3A_99 : memref<128x128xf32, #tpu.memory_space<vmem>>) target(%dma_start3A_96 : memref<128x128xf32, #tpu.memory_space<vmem_shared>>) target_semaphore(%run_scoped3A : memref<!tpu.dma_semaphore, #tpu.memory_space<semaphore_mem>>)
        %dma_wait3A_100 = arith.constant 0 : i32
        %dma_wait3A_101 = arith.constant 0 : i32
        %dma_wait3A_102 = tpu.memref_slice %arg11[%dma_wait3A_100, %dma_wait3A_101] : memref<128x128xf32, #tpu.memory_space<vmem>> -> memref<128x128xf32, #tpu.memory_space<vmem>>
        %dma_wait3A_103 = arith.constant 0 : i32
        %dma_wait3A_104 = tpu.memref_slice %arg21[%add3A_89, %dma_wait3A_103] : memref<10240x128xf32, #tpu.memory_space<vmem_shared>> -> memref<128x128xf32, #tpu.memory_space<vmem_shared>>
        %dma_wait3A_105 = arith.constant 0 : i32
        %dma_wait3A_106 = tpu.memref_slice %arg21[%add3A_89, %dma_wait3A_105] : memref<10240x128xf32, #tpu.memory_space<vmem_shared>> -> memref<128x128xf32, #tpu.memory_space<vmem_shared>>
        %dma_wait3A_107 = arith.constant 0 : i32
        %dma_wait3A_108 = arith.constant 0 : i32
        %dma_wait3A_109 = tpu.memref_slice %arg11[%dma_wait3A_107, %dma_wait3A_108] : memref<128x128xf32, #tpu.memory_space<vmem>> -> memref<128x128xf32, #tpu.memory_space<vmem>>
        tpu.wait_dma2 semaphore(%run_scoped3A : memref<!tpu.dma_semaphore, #tpu.memory_space<semaphore_mem>>) src(%dma_wait3A_109 : memref<128x128xf32, #tpu.memory_space<vmem>>) dst(%dma_wait3A_106 : memref<128x128xf32, #tpu.memory_space<vmem_shared>>)
        tpu.yield
      }) : () -> ()
    }
    %scan3A_3 = arith.constant 5 : i32
    %barrier3A = arith.constant 0 : index
    tpu.barrier barrier_id(%barrier3A)
    %mul3A = arith.constant 1264 : i32
    %mul3A_4 = arith.muli %arg0, %mul3A : i32
    %mul3A_5 = arith.constant 79 : i32
    %mul3A_6 = arith.muli %arg1, %mul3A_5 : i32
    %add3A = arith.addi %mul3A_4, %mul3A_6 : i32
    %mul3A_7 = arith.constant 128 : i32
    %mul3A_8 = arith.muli %add3A, %mul3A_7 : i32
    "tpu.region"() ({
      %run_scoped3A = tpu.sem_alloc : memref<!tpu.dma_semaphore, #tpu.memory_space<semaphore_mem>>
      %dma_start3A_80 = tpu.memref_slice %arg3[%mul3A_8] : memref<323584xi32, #tpu.memory_space<hbm>> -> memref<128xi32, #tpu.memory_space<hbm>>
      %dma_start3A_81 = tpu.memref_slice %arg3[%mul3A_8] : memref<323584xi32, #tpu.memory_space<hbm>> -> memref<128xi32, #tpu.memory_space<hbm>>
      tpu.enqueue_dma source(%dma_start3A_81 : memref<128xi32, #tpu.memory_space<hbm>>) target(%arg7 : memref<128xi32, #tpu.memory_space<vmem>>) target_semaphore(%run_scoped3A : memref<!tpu.dma_semaphore, #tpu.memory_space<semaphore_mem>>)
      %dma_wait3A_82 = tpu.memref_slice %arg3[%mul3A_8] : memref<323584xi32, #tpu.memory_space<hbm>> -> memref<128xi32, #tpu.memory_space<hbm>>
      %dma_wait3A_83 = tpu.memref_slice %arg3[%mul3A_8] : memref<323584xi32, #tpu.memory_space<hbm>> -> memref<128xi32, #tpu.memory_space<hbm>>
      tpu.wait_dma2 semaphore(%run_scoped3A : memref<!tpu.dma_semaphore, #tpu.memory_space<semaphore_mem>>) src(%dma_wait3A_83 : memref<128xi32, #tpu.memory_space<hbm>>) dst(%arg7 : memref<128xi32, #tpu.memory_space<vmem>>)
      tpu.yield
    }) : () -> ()
    "tpu.region"() ({
      %run_scoped3A = tpu.sem_alloc : memref<!tpu.dma_semaphore, #tpu.memory_space<semaphore_mem>>
      %dma_start3A_80 = tpu.memref_slice %arg4[%mul3A_8] : memref<323584xi32, #tpu.memory_space<hbm>> -> memref<128xi32, #tpu.memory_space<hbm>>
      %dma_start3A_81 = tpu.memref_slice %arg4[%mul3A_8] : memref<323584xi32, #tpu.memory_space<hbm>> -> memref<128xi32, #tpu.memory_space<hbm>>
      tpu.enqueue_dma source(%dma_start3A_81 : memref<128xi32, #tpu.memory_space<hbm>>) target(%arg9 : memref<128xi32, #tpu.memory_space<vmem>>) target_semaphore(%run_scoped3A : memref<!tpu.dma_semaphore, #tpu.memory_space<semaphore_mem>>)
      %dma_wait3A_82 = tpu.memref_slice %arg4[%mul3A_8] : memref<323584xi32, #tpu.memory_space<hbm>> -> memref<128xi32, #tpu.memory_space<hbm>>
      %dma_wait3A_83 = tpu.memref_slice %arg4[%mul3A_8] : memref<323584xi32, #tpu.memory_space<hbm>> -> memref<128xi32, #tpu.memory_space<hbm>>
      tpu.wait_dma2 semaphore(%run_scoped3A : memref<!tpu.dma_semaphore, #tpu.memory_space<semaphore_mem>>) src(%dma_wait3A_83 : memref<128xi32, #tpu.memory_space<hbm>>) dst(%arg9 : memref<128xi32, #tpu.memory_space<vmem>>)
      tpu.yield
    }) : () -> ()
    %dma_start3A = arith.constant 0 : i32
    %dma_start3A_9 = arith.constant 0 : i32
    %dma_start3A_10 = tpu.memref_slice %arg2[%dma_start3A, %dma_start3A_9] : memref<10240x128xf32, #tpu.memory_space<hbm>> -> memref<10240x128xf32, #tpu.memory_space<hbm>>
    tpu.enqueue_indirect_dma source(%dma_start3A_10 : memref<10240x128xf32, #tpu.memory_space<hbm>>) target(%arg11 : memref<128x128xf32, #tpu.memory_space<vmem>>) offsets(%arg7 : memref<128xi32, #tpu.memory_space<vmem>>) semaphore(%arg17 : memref<!tpu.dma_semaphore, #tpu.memory_space<semaphore_mem>>)
    %add3A_11 = arith.constant 128 : i32
    %add3A_12 = arith.addi %mul3A_8, %add3A_11 : i32
    %dma_start3A_13 = tpu.memref_slice %arg3[%add3A_12] : memref<323584xi32, #tpu.memory_space<hbm>> -> memref<128xi32, #tpu.memory_space<hbm>>
    %dma_start3A_14 = tpu.memref_slice %arg3[%add3A_12] : memref<323584xi32, #tpu.memory_space<hbm>> -> memref<128xi32, #tpu.memory_space<hbm>>
    tpu.enqueue_dma source(%dma_start3A_14 : memref<128xi32, #tpu.memory_space<hbm>>) target(%arg8 : memref<128xi32, #tpu.memory_space<vmem>>) target_semaphore(%arg14 : memref<!tpu.dma_semaphore, #tpu.memory_space<semaphore_mem>>)
    %add3A_15 = arith.constant 128 : i32
    %add3A_16 = arith.addi %mul3A_8, %add3A_15 : i32
    %dma_start3A_17 = tpu.memref_slice %arg4[%add3A_16] : memref<323584xi32, #tpu.memory_space<hbm>> -> memref<128xi32, #tpu.memory_space<hbm>>
    %dma_start3A_18 = tpu.memref_slice %arg4[%add3A_16] : memref<323584xi32, #tpu.memory_space<hbm>> -> memref<128xi32, #tpu.memory_space<hbm>>
    tpu.enqueue_dma source(%dma_start3A_18 : memref<128xi32, #tpu.memory_space<hbm>>) target(%arg10 : memref<128xi32, #tpu.memory_space<vmem>>) target_semaphore(%arg16 : memref<!tpu.dma_semaphore, #tpu.memory_space<semaphore_mem>>)
    %add3A_19 = arith.constant 128 : i32
    %add3A_20 = arith.addi %mul3A_8, %add3A_19 : i32
    %dma_wait3A = tpu.memref_slice %arg3[%add3A_20] : memref<323584xi32, #tpu.memory_space<hbm>> -> memref<128xi32, #tpu.memory_space<hbm>>
    %dma_wait3A_21 = tpu.memref_slice %arg3[%add3A_20] : memref<323584xi32, #tpu.memory_space<hbm>> -> memref<128xi32, #tpu.memory_space<hbm>>
    tpu.wait_dma2 semaphore(%arg14 : memref<!tpu.dma_semaphore, #tpu.memory_space<semaphore_mem>>) src(%dma_wait3A_21 : memref<128xi32, #tpu.memory_space<hbm>>) dst(%arg8 : memref<128xi32, #tpu.memory_space<vmem>>)
    %add3A_22 = arith.constant 128 : i32
    %add3A_23 = arith.addi %mul3A_8, %add3A_22 : i32
    %dma_wait3A_24 = tpu.memref_slice %arg4[%add3A_23] : memref<323584xi32, #tpu.memory_space<hbm>> -> memref<128xi32, #tpu.memory_space<hbm>>
    %dma_wait3A_25 = tpu.memref_slice %arg4[%add3A_23] : memref<323584xi32, #tpu.memory_space<hbm>> -> memref<128xi32, #tpu.memory_space<hbm>>
    tpu.wait_dma2 semaphore(%arg16 : memref<!tpu.dma_semaphore, #tpu.memory_space<semaphore_mem>>) src(%dma_wait3A_25 : memref<128xi32, #tpu.memory_space<hbm>>) dst(%arg10 : memref<128xi32, #tpu.memory_space<vmem>>)
    %dma_start3A_26 = arith.constant 0 : i32
    %dma_start3A_27 = arith.constant 0 : i32
    %dma_start3A_28 = tpu.memref_slice %arg2[%dma_start3A_26, %dma_start3A_27] : memref<10240x128xf32, #tpu.memory_space<hbm>> -> memref<10240x128xf32, #tpu.memory_space<hbm>>
    tpu.enqueue_indirect_dma source(%dma_start3A_28 : memref<10240x128xf32, #tpu.memory_space<hbm>>) target(%arg12 : memref<128x128xf32, #tpu.memory_space<vmem>>) offsets(%arg8 : memref<128xi32, #tpu.memory_space<vmem>>) semaphore(%arg18 : memref<!tpu.dma_semaphore, #tpu.memory_space<semaphore_mem>>)
    %dma_wait3A_29 = arith.constant 0 : i32
    %dma_wait3A_30 = arith.constant 0 : i32
    %dma_wait3A_31 = tpu.memref_slice %arg2[%dma_wait3A_29, %dma_wait3A_30] : memref<10240x128xf32, #tpu.memory_space<hbm>> -> memref<10240x128xf32, #tpu.memory_space<hbm>>
    tpu.wait_indirect_dma semaphore(%arg17 : memref<!tpu.dma_semaphore, #tpu.memory_space<semaphore_mem>>) src(%dma_wait3A_31 : memref<10240x128xf32, #tpu.memory_space<hbm>>) dst(%arg11 : memref<128x128xf32, #tpu.memory_space<vmem>>)
    %dma_start3A_32 = arith.constant 0 : i32
    %dma_start3A_33 = arith.constant 0 : i32
    %dma_start3A_34 = tpu.memref_slice %arg21[%dma_start3A_32, %dma_start3A_33] : memref<10240x128xf32, #tpu.memory_space<vmem_shared>> -> memref<10240x128xf32, #tpu.memory_space<vmem_shared>>
    tpu.enqueue_indirect_dma source(%arg11 : memref<128x128xf32, #tpu.memory_space<vmem>>) target(%dma_start3A_34 : memref<10240x128xf32, #tpu.memory_space<vmem_shared>>) offsets(%arg9 : memref<128xi32, #tpu.memory_space<vmem>>) semaphore(%arg19 : memref<!tpu.dma_semaphore, #tpu.memory_space<semaphore_mem>>) {add = true}
    %scan3A_35 = arith.constant 0 : i32
    %scan3A_36 = arith.constant 38 : i32
    %scan3A_37 = arith.addi %scan3A_35, %scan3A_36 : i32
    %scan3A_38 = arith.constant 1 : i32
    scf.for %scan3A_80 = %scan3A_35 to %scan3A_37 step %scan3A_38  : i32 {
      %mul3A_81 = arith.constant 1 : i32
      %mul3A_82 = arith.muli %scan3A_80, %mul3A_81 : i32
      %add3A_83 = arith.constant 0 : i32
      %add3A_84 = arith.addi %add3A_83, %mul3A_82 : i32
      %mul3A_85 = arith.constant 2 : i32
      %mul3A_86 = arith.muli %add3A_84, %mul3A_85 : i32
      %add3A_87 = arith.constant 1 : i32
      %add3A_88 = arith.addi %add3A_87, %mul3A_86 : i32
      %add3A_89 = arith.constant 0 : i32
      %add3A_90 = arith.addi %add3A_88, %add3A_89 : i32
      %add3A_91 = arith.constant 1 : i32
      %add3A_92 = arith.addi %add3A_90, %add3A_91 : i32
      %mul3A_93 = arith.constant 128 : i32
      %mul3A_94 = arith.muli %add3A_92, %mul3A_93 : i32
      %add3A_95 = arith.addi %mul3A_8, %mul3A_94 : i32
      %dma_wait3A_96 = arith.constant 0 : i32
      %dma_wait3A_97 = arith.constant 0 : i32
      %dma_wait3A_98 = tpu.memref_slice %arg21[%dma_wait3A_96, %dma_wait3A_97] : memref<10240x128xf32, #tpu.memory_space<vmem_shared>> -> memref<10240x128xf32, #tpu.memory_space<vmem_shared>>
      tpu.wait_indirect_dma semaphore(%arg19 : memref<!tpu.dma_semaphore, #tpu.memory_space<semaphore_mem>>) src(%arg11 : memref<128x128xf32, #tpu.memory_space<vmem>>) dst(%dma_wait3A_98 : memref<10240x128xf32, #tpu.memory_space<vmem_shared>>)
      %dma_start3A_99 = tpu.memref_slice %arg3[%add3A_95] : memref<323584xi32, #tpu.memory_space<hbm>> -> memref<128xi32, #tpu.memory_space<hbm>>
      %dma_start3A_100 = tpu.memref_slice %arg3[%add3A_95] : memref<323584xi32, #tpu.memory_space<hbm>> -> memref<128xi32, #tpu.memory_space<hbm>>
      tpu.enqueue_dma source(%dma_start3A_100 : memref<128xi32, #tpu.memory_space<hbm>>) target(%arg7 : memref<128xi32, #tpu.memory_space<vmem>>) target_semaphore(%arg13 : memref<!tpu.dma_semaphore, #tpu.memory_space<semaphore_mem>>)
      %dma_start3A_101 = tpu.memref_slice %arg4[%add3A_95] : memref<323584xi32, #tpu.memory_space<hbm>> -> memref<128xi32, #tpu.memory_space<hbm>>
      %dma_start3A_102 = tpu.memref_slice %arg4[%add3A_95] : memref<323584xi32, #tpu.memory_space<hbm>> -> memref<128xi32, #tpu.memory_space<hbm>>
      tpu.enqueue_dma source(%dma_start3A_102 : memref<128xi32, #tpu.memory_space<hbm>>) target(%arg9 : memref<128xi32, #tpu.memory_space<vmem>>) target_semaphore(%arg15 : memref<!tpu.dma_semaphore, #tpu.memory_space<semaphore_mem>>)
      %dma_wait3A_103 = tpu.memref_slice %arg3[%add3A_95] : memref<323584xi32, #tpu.memory_space<hbm>> -> memref<128xi32, #tpu.memory_space<hbm>>
      %dma_wait3A_104 = tpu.memref_slice %arg3[%add3A_95] : memref<323584xi32, #tpu.memory_space<hbm>> -> memref<128xi32, #tpu.memory_space<hbm>>
      tpu.wait_dma2 semaphore(%arg13 : memref<!tpu.dma_semaphore, #tpu.memory_space<semaphore_mem>>) src(%dma_wait3A_104 : memref<128xi32, #tpu.memory_space<hbm>>) dst(%arg7 : memref<128xi32, #tpu.memory_space<vmem>>)
      %dma_wait3A_105 = tpu.memref_slice %arg4[%add3A_95] : memref<323584xi32, #tpu.memory_space<hbm>> -> memref<128xi32, #tpu.memory_space<hbm>>
      %dma_wait3A_106 = tpu.memref_slice %arg4[%add3A_95] : memref<323584xi32, #tpu.memory_space<hbm>> -> memref<128xi32, #tpu.memory_space<hbm>>
      tpu.wait_dma2 semaphore(%arg15 : memref<!tpu.dma_semaphore, #tpu.memory_space<semaphore_mem>>) src(%dma_wait3A_106 : memref<128xi32, #tpu.memory_space<hbm>>) dst(%arg9 : memref<128xi32, #tpu.memory_space<vmem>>)
      %dma_start3A_107 = arith.constant 0 : i32
      %dma_start3A_108 = arith.constant 0 : i32
      %dma_start3A_109 = tpu.memref_slice %arg2[%dma_start3A_107, %dma_start3A_108] : memref<10240x128xf32, #tpu.memory_space<hbm>> -> memref<10240x128xf32, #tpu.memory_space<hbm>>
      tpu.enqueue_indirect_dma source(%dma_start3A_109 : memref<10240x128xf32, #tpu.memory_space<hbm>>) target(%arg11 : memref<128x128xf32, #tpu.memory_space<vmem>>) offsets(%arg7 : memref<128xi32, #tpu.memory_space<vmem>>) semaphore(%arg17 : memref<!tpu.dma_semaphore, #tpu.memory_space<semaphore_mem>>)
      %dma_wait3A_110 = arith.constant 0 : i32
      %dma_wait3A_111 = arith.constant 0 : i32
      %dma_wait3A_112 = tpu.memref_slice %arg2[%dma_wait3A_110, %dma_wait3A_111] : memref<10240x128xf32, #tpu.memory_space<hbm>> -> memref<10240x128xf32, #tpu.memory_space<hbm>>
      tpu.wait_indirect_dma semaphore(%arg18 : memref<!tpu.dma_semaphore, #tpu.memory_space<semaphore_mem>>) src(%dma_wait3A_112 : memref<10240x128xf32, #tpu.memory_space<hbm>>) dst(%arg12 : memref<128x128xf32, #tpu.memory_space<vmem>>)
      %dma_start3A_113 = arith.constant 0 : i32
      %dma_start3A_114 = arith.constant 0 : i32
      %dma_start3A_115 = tpu.memref_slice %arg21[%dma_start3A_113, %dma_start3A_114] : memref<10240x128xf32, #tpu.memory_space<vmem_shared>> -> memref<10240x128xf32, #tpu.memory_space<vmem_shared>>
      tpu.enqueue_indirect_dma source(%arg12 : memref<128x128xf32, #tpu.memory_space<vmem>>) target(%dma_start3A_115 : memref<10240x128xf32, #tpu.memory_space<vmem_shared>>) offsets(%arg10 : memref<128xi32, #tpu.memory_space<vmem>>) semaphore(%arg20 : memref<!tpu.dma_semaphore, #tpu.memory_space<semaphore_mem>>) {add = true}
      %mul3A_116 = arith.constant 2 : i32
      %mul3A_117 = arith.muli %add3A_84, %mul3A_116 : i32
      %add3A_118 = arith.constant 1 : i32
      %add3A_119 = arith.addi %add3A_118, %mul3A_117 : i32
      %add3A_120 = arith.constant 1 : i32
      %add3A_121 = arith.addi %add3A_119, %add3A_120 : i32
      %add3A_122 = arith.constant 1 : i32
      %add3A_123 = arith.addi %add3A_121, %add3A_122 : i32
      %mul3A_124 = arith.constant 128 : i32
      %mul3A_125 = arith.muli %add3A_123, %mul3A_124 : i32
      %add3A_126 = arith.addi %mul3A_8, %mul3A_125 : i32
      %dma_wait3A_127 = arith.constant 0 : i32
      %dma_wait3A_128 = arith.constant 0 : i32
      %dma_wait3A_129 = tpu.memref_slice %arg21[%dma_wait3A_127, %dma_wait3A_128] : memref<10240x128xf32, #tpu.memory_space<vmem_shared>> -> memref<10240x128xf32, #tpu.memory_space<vmem_shared>>
      tpu.wait_indirect_dma semaphore(%arg20 : memref<!tpu.dma_semaphore, #tpu.memory_space<semaphore_mem>>) src(%arg12 : memref<128x128xf32, #tpu.memory_space<vmem>>) dst(%dma_wait3A_129 : memref<10240x128xf32, #tpu.memory_space<vmem_shared>>)
      %dma_start3A_130 = tpu.memref_slice %arg3[%add3A_126] : memref<323584xi32, #tpu.memory_space<hbm>> -> memref<128xi32, #tpu.memory_space<hbm>>
      %dma_start3A_131 = tpu.memref_slice %arg3[%add3A_126] : memref<323584xi32, #tpu.memory_space<hbm>> -> memref<128xi32, #tpu.memory_space<hbm>>
      tpu.enqueue_dma source(%dma_start3A_131 : memref<128xi32, #tpu.memory_space<hbm>>) target(%arg8 : memref<128xi32, #tpu.memory_space<vmem>>) target_semaphore(%arg14 : memref<!tpu.dma_semaphore, #tpu.memory_space<semaphore_mem>>)
      %dma_start3A_132 = tpu.memref_slice %arg4[%add3A_126] : memref<323584xi32, #tpu.memory_space<hbm>> -> memref<128xi32, #tpu.memory_space<hbm>>
      %dma_start3A_133 = tpu.memref_slice %arg4[%add3A_126] : memref<323584xi32, #tpu.memory_space<hbm>> -> memref<128xi32, #tpu.memory_space<hbm>>
      tpu.enqueue_dma source(%dma_start3A_133 : memref<128xi32, #tpu.memory_space<hbm>>) target(%arg10 : memref<128xi32, #tpu.memory_space<vmem>>) target_semaphore(%arg16 : memref<!tpu.dma_semaphore, #tpu.memory_space<semaphore_mem>>)
      %dma_wait3A_134 = tpu.memref_slice %arg3[%add3A_126] : memref<323584xi32, #tpu.memory_space<hbm>> -> memref<128xi32, #tpu.memory_space<hbm>>
      %dma_wait3A_135 = tpu.memref_slice %arg3[%add3A_126] : memref<323584xi32, #tpu.memory_space<hbm>> -> memref<128xi32, #tpu.memory_space<hbm>>
      tpu.wait_dma2 semaphore(%arg14 : memref<!tpu.dma_semaphore, #tpu.memory_space<semaphore_mem>>) src(%dma_wait3A_135 : memref<128xi32, #tpu.memory_space<hbm>>) dst(%arg8 : memref<128xi32, #tpu.memory_space<vmem>>)
      %dma_wait3A_136 = tpu.memref_slice %arg4[%add3A_126] : memref<323584xi32, #tpu.memory_space<hbm>> -> memref<128xi32, #tpu.memory_space<hbm>>
      %dma_wait3A_137 = tpu.memref_slice %arg4[%add3A_126] : memref<323584xi32, #tpu.memory_space<hbm>> -> memref<128xi32, #tpu.memory_space<hbm>>
      tpu.wait_dma2 semaphore(%arg16 : memref<!tpu.dma_semaphore, #tpu.memory_space<semaphore_mem>>) src(%dma_wait3A_137 : memref<128xi32, #tpu.memory_space<hbm>>) dst(%arg10 : memref<128xi32, #tpu.memory_space<vmem>>)
      %dma_start3A_138 = arith.constant 0 : i32
      %dma_start3A_139 = arith.constant 0 : i32
      %dma_start3A_140 = tpu.memref_slice %arg2[%dma_start3A_138, %dma_start3A_139] : memref<10240x128xf32, #tpu.memory_space<hbm>> -> memref<10240x128xf32, #tpu.memory_space<hbm>>
      tpu.enqueue_indirect_dma source(%dma_start3A_140 : memref<10240x128xf32, #tpu.memory_space<hbm>>) target(%arg12 : memref<128x128xf32, #tpu.memory_space<vmem>>) offsets(%arg8 : memref<128xi32, #tpu.memory_space<vmem>>) semaphore(%arg18 : memref<!tpu.dma_semaphore, #tpu.memory_space<semaphore_mem>>)
      %dma_wait3A_141 = arith.constant 0 : i32
      %dma_wait3A_142 = arith.constant 0 : i32
      %dma_wait3A_143 = tpu.memref_slice %arg2[%dma_wait3A_141, %dma_wait3A_142] : memref<10240x128xf32, #tpu.memory_space<hbm>> -> memref<10240x128xf32, #tpu.memory_space<hbm>>
      tpu.wait_indirect_dma semaphore(%arg17 : memref<!tpu.dma_semaphore, #tpu.memory_space<semaphore_mem>>) src(%dma_wait3A_143 : memref<10240x128xf32, #tpu.memory_space<hbm>>) dst(%arg11 : memref<128x128xf32, #tpu.memory_space<vmem>>)
      %dma_start3A_144 = arith.constant 0 : i32
      %dma_start3A_145 = arith.constant 0 : i32
      %dma_start3A_146 = tpu.memref_slice %arg21[%dma_start3A_144, %dma_start3A_145] : memref<10240x128xf32, #tpu.memory_space<vmem_shared>> -> memref<10240x128xf32, #tpu.memory_space<vmem_shared>>
      tpu.enqueue_indirect_dma source(%arg11 : memref<128x128xf32, #tpu.memory_space<vmem>>) target(%dma_start3A_146 : memref<10240x128xf32, #tpu.memory_space<vmem_shared>>) offsets(%arg9 : memref<128xi32, #tpu.memory_space<vmem>>) semaphore(%arg19 : memref<!tpu.dma_semaphore, #tpu.memory_space<semaphore_mem>>) {add = true}
    }
    %scan3A_39 = arith.constant 38 : i32
    %add3A_40 = arith.constant 9984 : i32
    %add3A_41 = arith.addi %mul3A_8, %add3A_40 : i32
    %dma_wait3A_42 = arith.constant 0 : i32
    %dma_wait3A_43 = arith.constant 0 : i32
    %dma_wait3A_44 = tpu.memref_slice %arg21[%dma_wait3A_42, %dma_wait3A_43] : memref<10240x128xf32, #tpu.memory_space<vmem_shared>> -> memref<10240x128xf32, #tpu.memory_space<vmem_shared>>
    tpu.wait_indirect_dma semaphore(%arg19 : memref<!tpu.dma_semaphore, #tpu.memory_space<semaphore_mem>>) src(%arg11 : memref<128x128xf32, #tpu.memory_space<vmem>>) dst(%dma_wait3A_44 : memref<10240x128xf32, #tpu.memory_space<vmem_shared>>)
    %dma_start3A_45 = tpu.memref_slice %arg3[%add3A_41] : memref<323584xi32, #tpu.memory_space<hbm>> -> memref<128xi32, #tpu.memory_space<hbm>>
    %dma_start3A_46 = tpu.memref_slice %arg3[%add3A_41] : memref<323584xi32, #tpu.memory_space<hbm>> -> memref<128xi32, #tpu.memory_space<hbm>>
    tpu.enqueue_dma source(%dma_start3A_46 : memref<128xi32, #tpu.memory_space<hbm>>) target(%arg7 : memref<128xi32, #tpu.memory_space<vmem>>) target_semaphore(%arg13 : memref<!tpu.dma_semaphore, #tpu.memory_space<semaphore_mem>>)
    %dma_start3A_47 = tpu.memref_slice %arg4[%add3A_41] : memref<323584xi32, #tpu.memory_space<hbm>> -> memref<128xi32, #tpu.memory_space<hbm>>
    %dma_start3A_48 = tpu.memref_slice %arg4[%add3A_41] : memref<323584xi32, #tpu.memory_space<hbm>> -> memref<128xi32, #tpu.memory_space<hbm>>
    tpu.enqueue_dma source(%dma_start3A_48 : memref<128xi32, #tpu.memory_space<hbm>>) target(%arg9 : memref<128xi32, #tpu.memory_space<vmem>>) target_semaphore(%arg15 : memref<!tpu.dma_semaphore, #tpu.memory_space<semaphore_mem>>)
    %dma_wait3A_49 = tpu.memref_slice %arg3[%add3A_41] : memref<323584xi32, #tpu.memory_space<hbm>> -> memref<128xi32, #tpu.memory_space<hbm>>
    %dma_wait3A_50 = tpu.memref_slice %arg3[%add3A_41] : memref<323584xi32, #tpu.memory_space<hbm>> -> memref<128xi32, #tpu.memory_space<hbm>>
    tpu.wait_dma2 semaphore(%arg13 : memref<!tpu.dma_semaphore, #tpu.memory_space<semaphore_mem>>) src(%dma_wait3A_50 : memref<128xi32, #tpu.memory_space<hbm>>) dst(%arg7 : memref<128xi32, #tpu.memory_space<vmem>>)
    %dma_wait3A_51 = tpu.memref_slice %arg4[%add3A_41] : memref<323584xi32, #tpu.memory_space<hbm>> -> memref<128xi32, #tpu.memory_space<hbm>>
    %dma_wait3A_52 = tpu.memref_slice %arg4[%add3A_41] : memref<323584xi32, #tpu.memory_space<hbm>> -> memref<128xi32, #tpu.memory_space<hbm>>
    tpu.wait_dma2 semaphore(%arg15 : memref<!tpu.dma_semaphore, #tpu.memory_space<semaphore_mem>>) src(%dma_wait3A_52 : memref<128xi32, #tpu.memory_space<hbm>>) dst(%arg9 : memref<128xi32, #tpu.memory_space<vmem>>)
    %dma_start3A_53 = arith.constant 0 : i32
    %dma_start3A_54 = arith.constant 0 : i32
    %dma_start3A_55 = tpu.memref_slice %arg2[%dma_start3A_53, %dma_start3A_54] : memref<10240x128xf32, #tpu.memory_space<hbm>> -> memref<10240x128xf32, #tpu.memory_space<hbm>>
    tpu.enqueue_indirect_dma source(%dma_start3A_55 : memref<10240x128xf32, #tpu.memory_space<hbm>>) target(%arg11 : memref<128x128xf32, #tpu.memory_space<vmem>>) offsets(%arg7 : memref<128xi32, #tpu.memory_space<vmem>>) semaphore(%arg17 : memref<!tpu.dma_semaphore, #tpu.memory_space<semaphore_mem>>)
    %dma_wait3A_56 = arith.constant 0 : i32
    %dma_wait3A_57 = arith.constant 0 : i32
    %dma_wait3A_58 = tpu.memref_slice %arg2[%dma_wait3A_56, %dma_wait3A_57] : memref<10240x128xf32, #tpu.memory_space<hbm>> -> memref<10240x128xf32, #tpu.memory_space<hbm>>
    tpu.wait_indirect_dma semaphore(%arg18 : memref<!tpu.dma_semaphore, #tpu.memory_space<semaphore_mem>>) src(%dma_wait3A_58 : memref<10240x128xf32, #tpu.memory_space<hbm>>) dst(%arg12 : memref<128x128xf32, #tpu.memory_space<vmem>>)
    %dma_start3A_59 = arith.constant 0 : i32
    %dma_start3A_60 = arith.constant 0 : i32
    %dma_start3A_61 = tpu.memref_slice %arg21[%dma_start3A_59, %dma_start3A_60] : memref<10240x128xf32, #tpu.memory_space<vmem_shared>> -> memref<10240x128xf32, #tpu.memory_space<vmem_shared>>
    tpu.enqueue_indirect_dma source(%arg12 : memref<128x128xf32, #tpu.memory_space<vmem>>) target(%dma_start3A_61 : memref<10240x128xf32, #tpu.memory_space<vmem_shared>>) offsets(%arg10 : memref<128xi32, #tpu.memory_space<vmem>>) semaphore(%arg20 : memref<!tpu.dma_semaphore, #tpu.memory_space<semaphore_mem>>) {add = true}
    %dma_wait3A_62 = arith.constant 0 : i32
    %dma_wait3A_63 = arith.constant 0 : i32
    %dma_wait3A_64 = tpu.memref_slice %arg21[%dma_wait3A_62, %dma_wait3A_63] : memref<10240x128xf32, #tpu.memory_space<vmem_shared>> -> memref<10240x128xf32, #tpu.memory_space<vmem_shared>>
    tpu.wait_indirect_dma semaphore(%arg20 : memref<!tpu.dma_semaphore, #tpu.memory_space<semaphore_mem>>) src(%arg12 : memref<128x128xf32, #tpu.memory_space<vmem>>) dst(%dma_wait3A_64 : memref<10240x128xf32, #tpu.memory_space<vmem_shared>>)
    %dma_wait3A_65 = arith.constant 0 : i32
    %dma_wait3A_66 = arith.constant 0 : i32
    %dma_wait3A_67 = tpu.memref_slice %arg2[%dma_wait3A_65, %dma_wait3A_66] : memref<10240x128xf32, #tpu.memory_space<hbm>> -> memref<10240x128xf32, #tpu.memory_space<hbm>>
    tpu.wait_indirect_dma semaphore(%arg17 : memref<!tpu.dma_semaphore, #tpu.memory_space<semaphore_mem>>) src(%dma_wait3A_67 : memref<10240x128xf32, #tpu.memory_space<hbm>>) dst(%arg11 : memref<128x128xf32, #tpu.memory_space<vmem>>)
    %dma_start3A_68 = arith.constant 0 : i32
    %dma_start3A_69 = arith.constant 0 : i32
    %dma_start3A_70 = tpu.memref_slice %arg21[%dma_start3A_68, %dma_start3A_69] : memref<10240x128xf32, #tpu.memory_space<vmem_shared>> -> memref<10240x128xf32, #tpu.memory_space<vmem_shared>>
    tpu.enqueue_indirect_dma source(%arg11 : memref<128x128xf32, #tpu.memory_space<vmem>>) target(%dma_start3A_70 : memref<10240x128xf32, #tpu.memory_space<vmem_shared>>) offsets(%arg9 : memref<128xi32, #tpu.memory_space<vmem>>) semaphore(%arg19 : memref<!tpu.dma_semaphore, #tpu.memory_space<semaphore_mem>>) {add = true}
    %dma_wait3A_71 = arith.constant 0 : i32
    %dma_wait3A_72 = arith.constant 0 : i32
    %dma_wait3A_73 = tpu.memref_slice %arg21[%dma_wait3A_71, %dma_wait3A_72] : memref<10240x128xf32, #tpu.memory_space<vmem_shared>> -> memref<10240x128xf32, #tpu.memory_space<vmem_shared>>
    tpu.wait_indirect_dma semaphore(%arg19 : memref<!tpu.dma_semaphore, #tpu.memory_space<semaphore_mem>>) src(%arg11 : memref<128x128xf32, #tpu.memory_space<vmem>>) dst(%dma_wait3A_73 : memref<10240x128xf32, #tpu.memory_space<vmem_shared>>)
    %barrier3A_74 = arith.constant 0 : index
    tpu.barrier barrier_id(%barrier3A_74)
    %scan3A_75 = arith.constant 0 : i32
    %scan3A_76 = arith.constant 5 : i32
    %scan3A_77 = arith.addi %scan3A_75, %scan3A_76 : i32
    %scan3A_78 = arith.constant 1 : i32
    scf.for %scan3A_80 = %scan3A_75 to %scan3A_77 step %scan3A_78  : i32 {
      %mul3A_81 = arith.constant 1 : i32
      %mul3A_82 = arith.muli %scan3A_80, %mul3A_81 : i32
      %add3A_83 = arith.constant 0 : i32
      %add3A_84 = arith.addi %add3A_83, %mul3A_82 : i32
      %mul3A_85 = arith.constant 640 : i32
      %mul3A_86 = arith.muli %arg1, %mul3A_85 : i32
      %mul3A_87 = arith.constant 128 : i32
      %mul3A_88 = arith.muli %add3A_84, %mul3A_87 : i32
      %add3A_89 = arith.addi %mul3A_86, %mul3A_88 : i32
      "tpu.region"() ({
        %run_scoped3A = tpu.sem_alloc : memref<!tpu.dma_semaphore, #tpu.memory_space<semaphore_mem>>
        %dma_start3A_90 = arith.constant 0 : i32
        %dma_start3A_91 = tpu.memref_slice %arg6[%arg0, %add3A_89, %dma_start3A_90] : memref<2x10240x128xf32, #tpu.memory_space<hbm>> -> memref<1x128x128xf32, #tpu.memory_space<hbm>>
        %dma_start3A_92 = tpu.memref_squeeze %dma_start3A_91 : memref<1x128x128xf32, #tpu.memory_space<hbm>> -> memref<128x128xf32, #tpu.memory_space<hbm>>
        %dma_start3A_93 = arith.constant 0 : i32
        %dma_start3A_94 = tpu.memref_slice %arg21[%add3A_89, %dma_start3A_93] : memref<10240x128xf32, #tpu.memory_space<vmem_shared>> -> memref<128x128xf32, #tpu.memory_space<vmem_shared>>
        tpu.enqueue_dma source(%dma_start3A_94 : memref<128x128xf32, #tpu.memory_space<vmem_shared>>) target(%dma_start3A_92 : memref<128x128xf32, #tpu.memory_space<hbm>>) target_semaphore(%run_scoped3A : memref<!tpu.dma_semaphore, #tpu.memory_space<semaphore_mem>>)
        %dma_wait3A_95 = arith.constant 0 : i32
        %dma_wait3A_96 = tpu.memref_slice %arg6[%arg0, %add3A_89, %dma_wait3A_95] : memref<2x10240x128xf32, #tpu.memory_space<hbm>> -> memref<1x128x128xf32, #tpu.memory_space<hbm>>
        %dma_wait3A_97 = tpu.memref_squeeze %dma_wait3A_96 : memref<1x128x128xf32, #tpu.memory_space<hbm>> -> memref<128x128xf32, #tpu.memory_space<hbm>>
        %dma_wait3A_98 = arith.constant 0 : i32
        %dma_wait3A_99 = tpu.memref_slice %arg21[%add3A_89, %dma_wait3A_98] : memref<10240x128xf32, #tpu.memory_space<vmem_shared>> -> memref<128x128xf32, #tpu.memory_space<vmem_shared>>
        tpu.wait_dma2 semaphore(%run_scoped3A : memref<!tpu.dma_semaphore, #tpu.memory_space<semaphore_mem>>) src(%dma_wait3A_99 : memref<128x128xf32, #tpu.memory_space<vmem_shared>>) dst(%dma_wait3A_97 : memref<128x128xf32, #tpu.memory_space<hbm>>)
        tpu.yield
      }) : () -> ()
    }
    %scan3A_79 = arith.constant 5 : i32
    return
  }
}

module attributes {stable_mosaic.version = 14 : i64} {
  func.func @_mm_body(%arg0: i32, %arg1: memref<2048x128xf32, #tpu.memory_space<vmem>>, %arg2: memref<128x128xf32, #tpu.memory_space<vmem>>, %arg3: memref<2048x128xf32, #tpu.memory_space<vmem>>) attributes {dimension_semantics = [#tpu.dimension_semantics<arbitrary>], iteration_bounds = array<i64: 5>, scalar_prefetch = 0 : i64, scratch_operands = 0 : i64, tpu.core_type = #tpu.core_type<tc>, window_params = [{transform_indices = @transform_0, window_bounds = array<i64: 2048, 128>}, {pipeline_mode = #tpu.pipeline_mode<synchronous>, transform_indices = @transform_1, window_bounds = array<i64: 128, 128>}, {transform_indices = @transform_2, window_bounds = array<i64: 2048, 128>}]} {
    %get3A = arith.constant 0 : index
    %get3A_0 = arith.constant 0 : index
    %get3A_1 = vector.load %arg1[%get3A, %get3A_0] : memref<2048x128xf32, #tpu.memory_space<vmem>>, vector<2048x128xf32>
    %get3A_2 = arith.constant 0 : index
    %get3A_3 = arith.constant 0 : index
    %get3A_4 = vector.load %arg2[%get3A_2, %get3A_3] : memref<128x128xf32, #tpu.memory_space<vmem>>, vector<128x128xf32>
    %dot_general3A = arith.constant dense<0.000000e+00> : vector<2048x128xf32>
    %dot_general3A_5 = tpu.matmul %get3A_1, %get3A_4, %dot_general3A {dimension_numbers = #tpu.dot_dimension_numbers<[1], [0], [0], [1], [0, 0, 1, 1], [], []>, transpose_lhs_hint = false} : vector<2048x128xf32>, vector<128x128xf32>, vector<2048x128xf32> -> vector<2048x128xf32>
    %swap3A = arith.constant 0 : index
    %swap3A_6 = arith.constant 0 : index
    %swap3A_7 = vector.load %arg3[%swap3A, %swap3A_6] : memref<2048x128xf32, #tpu.memory_space<vmem>>, vector<2048x128xf32>
    tpu.vector_store %arg3[%swap3A, %swap3A_6], %dot_general3A_5 {strides = array<i32>} : memref<2048x128xf32, #tpu.memory_space<vmem>>, vector<2048x128xf32>,
    return
  }
  func.func @transform_0(%arg0: i32) -> (i32, i32) {
    %c0_i32 = arith.constant 0 : i32
    %c0_i32_0 = arith.constant 0 : i32
    return %arg0, %c0_i32 : i32, i32
  }
  func.func @transform_1(%arg0: i32) -> (i32, i32) {
    %c0_i32 = arith.constant 0 : i32
    %c0_i32_0 = arith.constant 0 : i32
    %c0_i32_1 = arith.constant 0 : i32
    return %c0_i32, %c0_i32_0 : i32, i32
  }
  func.func @transform_2(%arg0: i32) -> (i32, i32) {
    %c0_i32 = arith.constant 0 : i32
    %c0_i32_0 = arith.constant 0 : i32
    return %arg0, %c0_i32 : i32, i32
  }
}

module attributes {stable_mosaic.version = 14 : i64} {
  func.func @_scale_body(%arg0: i32, %arg1: memref<2x2048x128xf32, #tpu.memory_space<vmem>>, %arg2: memref<2048x128xf32, #tpu.memory_space<vmem>>, %arg3: memref<2048x128xf32, #tpu.memory_space<vmem>>, %arg4: memref<2048x128xf32, #tpu.memory_space<vmem>>) attributes {dimension_semantics = [#tpu.dimension_semantics<arbitrary>], iteration_bounds = array<i64: 5>, scalar_prefetch = 0 : i64, scratch_operands = 0 : i64, tpu.core_type = #tpu.core_type<tc>, window_params = [{transform_indices = @transform_0, window_bounds = array<i64: 2, 2048, 128>}, {transform_indices = @transform_1, window_bounds = array<i64: 2048, 128>}, {transform_indices = @transform_2, window_bounds = array<i64: 2048, 128>}, {transform_indices = @transform_3, window_bounds = array<i64: 2048, 128>}]} {
    %get3A = arith.constant 0 : index
    %get3A_0 = arith.constant 0 : index
    %get3A_1 = arith.constant 0 : index
    %get3A_2 = vector.load %arg1[%get3A, %get3A_0, %get3A_1] : memref<2x2048x128xf32, #tpu.memory_space<vmem>>, vector<1x2048x128xf32>
    %get3A_3 = vector.shape_cast %get3A_2 : vector<1x2048x128xf32> to vector<2048x128xf32>
    %get3A_4 = arith.constant 1 : index
    %get3A_5 = arith.constant 0 : index
    %get3A_6 = arith.constant 0 : index
    %get3A_7 = vector.load %arg1[%get3A_4, %get3A_5, %get3A_6] : memref<2x2048x128xf32, #tpu.memory_space<vmem>>, vector<1x2048x128xf32>
    %get3A_8 = vector.shape_cast %get3A_7 : vector<1x2048x128xf32> to vector<2048x128xf32>
    %add3A = arith.addf %get3A_3, %get3A_8 : vector<2048x128xf32>
    %add3A_9 = arith.constant 1.000000e+00 : f32
    %add3A_10 = vector.broadcast %add3A_9 : f32 to vector<2048x128xf32>
    %add3A_11 = arith.addf %add3A, %add3A_10 : vector<2048x128xf32>
    %rsqrt3A = math.rsqrt %add3A_11 : vector<2048x128xf32>
    %swap3A = arith.constant 0 : index
    %swap3A_12 = arith.constant 0 : index
    %swap3A_13 = vector.load %arg4[%swap3A, %swap3A_12] : memref<2048x128xf32, #tpu.memory_space<vmem>>, vector<2048x128xf32>
    tpu.vector_store %arg4[%swap3A, %swap3A_12], %rsqrt3A {strides = array<i32>} : memref<2048x128xf32, #tpu.memory_space<vmem>>, vector<2048x128xf32>,
    %get3A_14 = arith.constant 0 : index
    %get3A_15 = arith.constant 0 : index
    %get3A_16 = vector.load %arg2[%get3A_14, %get3A_15] : memref<2048x128xf32, #tpu.memory_space<vmem>>, vector<2048x128xf32>
    %mul3A = arith.mulf %get3A_16, %rsqrt3A : vector<2048x128xf32>
    %swap3A_17 = arith.constant 0 : index
    %swap3A_18 = arith.constant 0 : index
    %swap3A_19 = vector.load %arg3[%swap3A_17, %swap3A_18] : memref<2048x128xf32, #tpu.memory_space<vmem>>, vector<2048x128xf32>
    tpu.vector_store %arg3[%swap3A_17, %swap3A_18], %mul3A {strides = array<i32>} : memref<2048x128xf32, #tpu.memory_space<vmem>>, vector<2048x128xf32>,
    return
  }
  func.func @transform_0(%arg0: i32) -> (i32, i32, i32) {
    %c0_i32 = arith.constant 0 : i32
    %c0_i32_0 = arith.constant 0 : i32
    %c0_i32_1 = arith.constant 0 : i32
    return %c0_i32, %arg0, %c0_i32_0 : i32, i32, i32
  }
  func.func @transform_1(%arg0: i32) -> (i32, i32) {
    %c0_i32 = arith.constant 0 : i32
    %c0_i32_0 = arith.constant 0 : i32
    return %arg0, %c0_i32 : i32, i32
  }
  func.func @transform_2(%arg0: i32) -> (i32, i32) {
    %c0_i32 = arith.constant 0 : i32
    %c0_i32_0 = arith.constant 0 : i32
    return %arg0, %c0_i32 : i32, i32
  }
  func.func @transform_3(%arg0: i32) -> (i32, i32) {
    %c0_i32 = arith.constant 0 : i32
    %c0_i32_0 = arith.constant 0 : i32
    return %arg0, %c0_i32 : i32, i32
  }
}

module attributes {stable_mosaic.version = 14 : i64} {
  func.func @_dense2_body(%arg0: i32, %arg1: memref<2048x128xf32, #tpu.memory_space<vmem>>, %arg2: memref<2x2048x128xf32, #tpu.memory_space<vmem>>, %arg3: memref<2048x128xf32, #tpu.memory_space<vmem>>, %arg4: memref<1x128xf32, #tpu.memory_space<vmem>>, %arg5: memref<128x128xf32, #tpu.memory_space<vmem>>, %arg6: memref<2048x128xf32, #tpu.memory_space<vmem>>, %arg7: memref<2048x128xf32, #tpu.memory_space<vmem>>) attributes {dimension_semantics = [#tpu.dimension_semantics<arbitrary>], iteration_bounds = array<i64: 5>, scalar_prefetch = 0 : i64, scratch_operands = 0 : i64, tpu.core_type = #tpu.core_type<tc>, window_params = [{transform_indices = @transform_0, window_bounds = array<i64: 2048, 128>}, {transform_indices = @transform_1, window_bounds = array<i64: 2, 2048, 128>}, {transform_indices = @transform_2, window_bounds = array<i64: 2048, 128>}, {pipeline_mode = #tpu.pipeline_mode<synchronous>, transform_indices = @transform_3, window_bounds = array<i64: 1, 128>}, {pipeline_mode = #tpu.pipeline_mode<synchronous>, transform_indices = @transform_4, window_bounds = array<i64: 128, 128>}, {transform_indices = @transform_5, window_bounds = array<i64: 2048, 128>}, {transform_indices = @transform_6, window_bounds = array<i64: 2048, 128>}]} {
    %get3A = arith.constant 0 : index
    %get3A_0 = arith.constant 0 : index
    %get3A_1 = vector.load %arg1[%get3A, %get3A_0] : memref<2048x128xf32, #tpu.memory_space<vmem>>, vector<2048x128xf32>
    %get3A_2 = arith.constant 0 : index
    %get3A_3 = arith.constant 0 : index
    %get3A_4 = arith.constant 0 : index
    %get3A_5 = vector.load %arg2[%get3A_2, %get3A_3, %get3A_4] : memref<2x2048x128xf32, #tpu.memory_space<vmem>>, vector<2x2048x128xf32>
    %slice3A = vector.extract_strided_slice %get3A_5 {offsets = [0, 0, 0], sizes = [1, 2048, 128], strides = [1, 1, 1]} : vector<2x2048x128xf32> to vector<1x2048x128xf32>
    %squeeze3A = vector.shape_cast %slice3A : vector<1x2048x128xf32> to vector<2048x128xf32>
    %slice3A_6 = vector.extract_strided_slice %get3A_5 {offsets = [1, 0, 0], sizes = [1, 2048, 128], strides = [1, 1, 1]} : vector<2x2048x128xf32> to vector<1x2048x128xf32>
    %squeeze3A_7 = vector.shape_cast %slice3A_6 : vector<1x2048x128xf32> to vector<2048x128xf32>
    %add3A = arith.addf %squeeze3A, %squeeze3A_7 : vector<2048x128xf32>
    %mul3A = arith.mulf %add3A, %get3A_1 : vector<2048x128xf32>
    %get3A_8 = arith.constant 0 : index
    %get3A_9 = arith.constant 0 : index
    %get3A_10 = vector.load %arg3[%get3A_8, %get3A_9] : memref<2048x128xf32, #tpu.memory_space<vmem>>, vector<2048x128xf32>
    %mul3A_11 = arith.mulf %get3A_10, %get3A_1 : vector<2048x128xf32>
    %mul3A_12 = arith.mulf %mul3A_11, %get3A_1 : vector<2048x128xf32>
    %add3A_13 = arith.addf %mul3A, %mul3A_12 : vector<2048x128xf32>
    %get3A_14 = arith.constant 0 : index
    %get3A_15 = arith.constant 0 : index
    %get3A_16 = vector.load %arg4[%get3A_14, %get3A_15] : memref<1x128xf32, #tpu.memory_space<vmem>>, vector<1x128xf32>
    %add3A_17 = vector.broadcast %get3A_16 : vector<1x128xf32> to vector<2048x128xf32>
    %add3A_18 = arith.addf %add3A_13, %add3A_17 : vector<2048x128xf32>
    %get3A_19 = arith.constant 0 : index
    %get3A_20 = arith.constant 0 : index
    %get3A_21 = vector.load %arg5[%get3A_19, %get3A_20] : memref<128x128xf32, #tpu.memory_space<vmem>>, vector<128x128xf32>
    %dot_general3A = arith.constant dense<0.000000e+00> : vector<2048x128xf32>
    %dot_general3A_22 = tpu.matmul %add3A_18, %get3A_21, %dot_general3A {dimension_numbers = #tpu.dot_dimension_numbers<[1], [0], [0], [1], [0, 0, 1, 1], [], []>, transpose_lhs_hint = false} : vector<2048x128xf32>, vector<128x128xf32>, vector<2048x128xf32> -> vector<2048x128xf32>
    %swap3A = arith.constant 0 : index
    %swap3A_23 = arith.constant 0 : index
    %swap3A_24 = vector.load %arg6[%swap3A, %swap3A_23] : memref<2048x128xf32, #tpu.memory_space<vmem>>, vector<2048x128xf32>
    tpu.vector_store %arg6[%swap3A, %swap3A_23], %dot_general3A_22 {strides = array<i32>} : memref<2048x128xf32, #tpu.memory_space<vmem>>, vector<2048x128xf32>,
    %mul3A_25 = arith.mulf %dot_general3A_22, %get3A_1 : vector<2048x128xf32>
    %swap3A_26 = arith.constant 0 : index
    %swap3A_27 = arith.constant 0 : index
    %swap3A_28 = vector.load %arg7[%swap3A_26, %swap3A_27] : memref<2048x128xf32, #tpu.memory_space<vmem>>, vector<2048x128xf32>
    tpu.vector_store %arg7[%swap3A_26, %swap3A_27], %mul3A_25 {strides = array<i32>} : memref<2048x128xf32, #tpu.memory_space<vmem>>, vector<2048x128xf32>,
    return
  }
  func.func @transform_0(%arg0: i32) -> (i32, i32) {
    %c0_i32 = arith.constant 0 : i32
    %c0_i32_0 = arith.constant 0 : i32
    return %arg0, %c0_i32 : i32, i32
  }
  func.func @transform_1(%arg0: i32) -> (i32, i32, i32) {
    %c0_i32 = arith.constant 0 : i32
    %c0_i32_0 = arith.constant 0 : i32
    %c0_i32_1 = arith.constant 0 : i32
    return %c0_i32, %arg0, %c0_i32_0 : i32, i32, i32
  }
  func.func @transform_2(%arg0: i32) -> (i32, i32) {
    %c0_i32 = arith.constant 0 : i32
    %c0_i32_0 = arith.constant 0 : i32
    return %arg0, %c0_i32 : i32, i32
  }
  func.func @transform_3(%arg0: i32) -> (i32, i32) {
    %c0_i32 = arith.constant 0 : i32
    %c0_i32_0 = arith.constant 0 : i32
    %c0_i32_1 = arith.constant 0 : i32
    return %c0_i32, %c0_i32_0 : i32, i32
  }
  func.func @transform_4(%arg0: i32) -> (i32, i32) {
    %c0_i32 = arith.constant 0 : i32
    %c0_i32_0 = arith.constant 0 : i32
    %c0_i32_1 = arith.constant 0 : i32
    return %c0_i32, %c0_i32_0 : i32, i32
  }
  func.func @transform_5(%arg0: i32) -> (i32, i32) {
    %c0_i32 = arith.constant 0 : i32
    %c0_i32_0 = arith.constant 0 : i32
    return %arg0, %c0_i32 : i32, i32
  }
  func.func @transform_6(%arg0: i32) -> (i32, i32) {
    %c0_i32 = arith.constant 0 : i32
    %c0_i32_0 = arith.constant 0 : i32
    return %arg0, %c0_i32 : i32, i32
  }
}

module attributes {stable_mosaic.version = 14 : i64} {
  func.func @_final_body(%arg0: i32, %arg1: memref<2048x128xf32, #tpu.memory_space<vmem>>, %arg2: memref<2x2048x128xf32, #tpu.memory_space<vmem>>, %arg3: memref<2048x128xf32, #tpu.memory_space<vmem>>, %arg4: memref<1x128xf32, #tpu.memory_space<vmem>>, %arg5: memref<2048x128xf32, #tpu.memory_space<vmem>>) attributes {dimension_semantics = [#tpu.dimension_semantics<arbitrary>], iteration_bounds = array<i64: 5>, scalar_prefetch = 0 : i64, scratch_operands = 0 : i64, tpu.core_type = #tpu.core_type<tc>, window_params = [{transform_indices = @transform_0, window_bounds = array<i64: 2048, 128>}, {transform_indices = @transform_1, window_bounds = array<i64: 2, 2048, 128>}, {transform_indices = @transform_2, window_bounds = array<i64: 2048, 128>}, {pipeline_mode = #tpu.pipeline_mode<synchronous>, transform_indices = @transform_3, window_bounds = array<i64: 1, 128>}, {transform_indices = @transform_4, window_bounds = array<i64: 2048, 128>}]} {
    %get3A = arith.constant 0 : index
    %get3A_0 = arith.constant 0 : index
    %get3A_1 = vector.load %arg1[%get3A, %get3A_0] : memref<2048x128xf32, #tpu.memory_space<vmem>>, vector<2048x128xf32>
    %get3A_2 = arith.constant 0 : index
    %get3A_3 = arith.constant 0 : index
    %get3A_4 = arith.constant 0 : index
    %get3A_5 = vector.load %arg2[%get3A_2, %get3A_3, %get3A_4] : memref<2x2048x128xf32, #tpu.memory_space<vmem>>, vector<2x2048x128xf32>
    %slice3A = vector.extract_strided_slice %get3A_5 {offsets = [0, 0, 0], sizes = [1, 2048, 128], strides = [1, 1, 1]} : vector<2x2048x128xf32> to vector<1x2048x128xf32>
    %squeeze3A = vector.shape_cast %slice3A : vector<1x2048x128xf32> to vector<2048x128xf32>
    %slice3A_6 = vector.extract_strided_slice %get3A_5 {offsets = [1, 0, 0], sizes = [1, 2048, 128], strides = [1, 1, 1]} : vector<2x2048x128xf32> to vector<1x2048x128xf32>
    %squeeze3A_7 = vector.shape_cast %slice3A_6 : vector<1x2048x128xf32> to vector<2048x128xf32>
    %add3A = arith.addf %squeeze3A, %squeeze3A_7 : vector<2048x128xf32>
    %mul3A = arith.mulf %add3A, %get3A_1 : vector<2048x128xf32>
    %get3A_8 = arith.constant 0 : index
    %get3A_9 = arith.constant 0 : index
    %get3A_10 = vector.load %arg3[%get3A_8, %get3A_9] : memref<2048x128xf32, #tpu.memory_space<vmem>>, vector<2048x128xf32>
    %mul3A_11 = arith.mulf %get3A_10, %get3A_1 : vector<2048x128xf32>
    %mul3A_12 = arith.mulf %mul3A_11, %get3A_1 : vector<2048x128xf32>
    %add3A_13 = arith.addf %mul3A, %mul3A_12 : vector<2048x128xf32>
    %get3A_14 = arith.constant 0 : index
    %get3A_15 = arith.constant 0 : index
    %get3A_16 = vector.load %arg4[%get3A_14, %get3A_15] : memref<1x128xf32, #tpu.memory_space<vmem>>, vector<1x128xf32>
    %add3A_17 = vector.broadcast %get3A_16 : vector<1x128xf32> to vector<2048x128xf32>
    %add3A_18 = arith.addf %add3A_13, %add3A_17 : vector<2048x128xf32>
    %reduce_max3A = arith.constant dense<0xFF800000> : vector<2048xf32>
    %reduce_max3A_19 = vector.multi_reduction <maximumf>, %add3A_18, %reduce_max3A [1] : vector<2048x128xf32> to vector<2048xf32>
    %broadcast_in_dim3A = vector.shape_cast %reduce_max3A_19 : vector<2048xf32> to vector<2048x1xf32>
    %sub3A = vector.broadcast %broadcast_in_dim3A : vector<2048x1xf32> to vector<2048x128xf32>
    %sub3A_20 = arith.subf %add3A_18, %sub3A : vector<2048x128xf32>
    %exp3A = math.exp %sub3A_20 : vector<2048x128xf32>
    %reduce_sum3A = arith.constant dense<0.000000e+00> : vector<2048xf32>
    %reduce_sum3A_21 = vector.multi_reduction <add>, %exp3A, %reduce_sum3A [1] : vector<2048x128xf32> to vector<2048xf32>
    %broadcast_in_dim3A_22 = vector.shape_cast %reduce_sum3A_21 : vector<2048xf32> to vector<2048x1xf32>
    %log3A = math.log %broadcast_in_dim3A_22 : vector<2048x1xf32>
    %sub3A_23 = vector.broadcast %log3A : vector<2048x1xf32> to vector<2048x128xf32>
    %sub3A_24 = arith.subf %sub3A_20, %sub3A_23 : vector<2048x128xf32>
    %swap3A = arith.constant 0 : index
    %swap3A_25 = arith.constant 0 : index
    %swap3A_26 = vector.load %arg5[%swap3A, %swap3A_25] : memref<2048x128xf32, #tpu.memory_space<vmem>>, vector<2048x128xf32>
    tpu.vector_store %arg5[%swap3A, %swap3A_25], %sub3A_24 {strides = array<i32>} : memref<2048x128xf32, #tpu.memory_space<vmem>>, vector<2048x128xf32>,
    return
  }
  func.func @transform_0(%arg0: i32) -> (i32, i32) {
    %c0_i32 = arith.constant 0 : i32
    %c0_i32_0 = arith.constant 0 : i32
    return %arg0, %c0_i32 : i32, i32
  }
  func.func @transform_1(%arg0: i32) -> (i32, i32, i32) {
    %c0_i32 = arith.constant 0 : i32
    %c0_i32_0 = arith.constant 0 : i32
    %c0_i32_1 = arith.constant 0 : i32
    return %c0_i32, %arg0, %c0_i32_0 : i32, i32, i32
  }
  func.func @transform_2(%arg0: i32) -> (i32, i32) {
    %c0_i32 = arith.constant 0 : i32
    %c0_i32_0 = arith.constant 0 : i32
    return %arg0, %c0_i32 : i32, i32
  }
  func.func @transform_3(%arg0: i32) -> (i32, i32) {
    %c0_i32 = arith.constant 0 : i32
    %c0_i32_0 = arith.constant 0 : i32
    %c0_i32_1 = arith.constant 0 : i32
    return %c0_i32, %c0_i32_0 : i32, i32
  }
  func.func @transform_4(%arg0: i32) -> (i32, i32) {
    %c0_i32 = arith.constant 0 : i32
    %c0_i32_0 = arith.constant 0 : i32
    return %arg0, %c0_i32 : i32, i32
  }
}

</mosaic_0001>

<sc_bundles>
// kernel: kernel.12.cloned.1.call-start
scs
__scs_entry_jumppad:
0x0: {  	(pc) =	sbr.rel $0x88, $3  }
0x1: {  	(tag) =	ssettag $0x0;
	lr =	simm.s32 $0x1  }
0x2: {  	[smem:$0x3F9B] =	sst lr;
	_ =	strace $0xD0000000  }
0x3: {  	_ = 	snop  }
0x4: {  	_ = 	snop  }
0x5: {  	_ = 	snop  }
0x6: {  	_ = 	snop  }
0x7: {  	_ = 	snop  }
__scs_overlays_trampoline_lowered:
0x8: {  	[smem:$0x3FAA] =	sst s0  }
0x9: {  	[smem:$0x3FAB] =	sst s1  }
0xa: {  	[smem:$0x3FAC] =	sst s2  }
0xb: {  	[smem:$0x3FAD] =	sst s3  }
0xc: {  	[smem:$0x3FAE] =	sst s4  }
0xd: {  	[smem:$0x3FAF] =	sst s5  }
0xe: {  	[smem:$0x3FB0] =	sst s6  }
0xf: {  	[smem:$0x3FB1] =	sst s7  }
0x10: {  	[smem:$0x3FB2] =	sst s8  }
0x11: {  	[smem:$0x3FB3] =	sst s9;
	s0 =	simm.s32 @!p0 $0x0  }
0x12: {  	s1 =	sld [smem:$0x3F99];
	s0 =	simm.s32 @p0 $0x1  }
0x13: {  	[smem:$0x3FB4] =	sst s0;
	s0 =	simm.s32 @!p1 $0x0  }
0x14: {  	s2 =	sld [smem:$0x3F98];
	s0 =	simm.s32 @p1 $0x1  }
0x15: {  	[smem:$0x3FB5] =	sst s0;
	s0 =	simm.s32 @!p2 $0x0  }
0x16: {  	s3 =	sld [smem:$0x3FDB];
	s0 =	simm.s32 @p2 $0x1  }
0x17: {  	s4 =	simm.s32 $0x1BF5;
	[smem:$0x3FB7] =	sst s0  }
0x18: {  	s0 =	sld [smem:$0x3F9A];
	_ =	swait.ge [sflag:s4], $0x0  }
0x19: {  	s7 =	sld [smem:$0x3F9B]  }
0x1a: {  	s8 =	sadd.s32 $0xFFFFE003, lr  }
0x1b: {  	s9 =	sadd.s32 $0xFFFFFEF7, lr;
	s5 =	simm.s32 $0xFFFFFFFF;
	p2 =	slt.u32 s8, $0xFFFFF086  }
0x1c: {  	p1 =	slt.u32 s9, $0xF7A;
	s5 =	simm.s32 @!p2 $0x0  }
0x1d: {  	s5 =	simm.s32 @p1 $0x1;
	p0 =	seq.s32 s7, s2  }
0x1e: {  	s7 =	smul.u32 @!p0 $0xF7A, s2;
	p2 =	seq.s32 @!p0 s5, $0x0  }
0x1f: {  	s9 =	smul.u32 $0xF7A, s1;
	s8 =	simm.s32 @!p0 $0x1BF5;
	p2 =	por !p2, p0  }
0x20: {  	[sflag:s8] =	ssyncset.s32 @!p0 $0xFFFFF086;
	s6 =	sadd.s32 @!p0 s3, s7;
	s7 =	simm.s32 @!p0 $0x108  }
0x21: {  	s3 =	sadd.s32 s3, s9;
	s6 =	sadd.s32 @!p0 $0x88, s6;
	s7 =	simm.s32 @p2 $0x1082  }
0x22: {  	[simem:s7], [sflag:s8] =	dma.local @!p0 [hbm:s6], $0xF7A  }
0x23: {  	s9 =	sor.u32 $0xD0000000, s2;
	s6 =	simm.s32 $0x108;
	_ =	swait.ge @!p0 [sflag:s8], $0x0  }
0x24: {  	s3 =	sadd.s32 $0x88, s3;
	s6 =	simm.s32 @!p1 $0x1082;
	[sflag:s4] =	ssyncset.s32 $0xFFFFF086  }
0x25: {  	[simem:s6], [sflag:s4] =	dma.local [hbm:s3], $0xF7A  }
0x26: {  	[smem:$0x3F9B] =	sst s1;
	(tag) =	ssettag s2;
	_ =	strace s9  }
0x27: {  	s1 =	sld [smem:$0x3FAB]  }
0x28: {  	s2 =	sld [smem:$0x3FAC]  }
0x29: {  	s4 =	sld [smem:$0x3FAE]  }
0x2a: {  	p0 =	seq.s32 s5, $0x0;
	s5 =	sld [smem:$0x3FAF]  }
0x2b: {  	s6 =	sld [smem:$0x3FB0]  }
0x2c: {  	s7 =	sld [smem:$0x3FB1]  }
0x2d: {  	s3 =	simm.s32 $0x108;
	s8 =	sld [smem:$0x3FB2]  }
0x2e: {  	s3 =	simm.s32 @!p0 $0x1082;
	s9 =	sld [smem:$0x3FB3]  }
0x2f: {  	lr =	sadd.s32 s0, s3;
	s0 =	sld [smem:$0x3FAA]  }
0x30: {  	s3 =	sld [smem:$0x3FAD]  }
0x31: {  	[smem:$0x3FB6] =	sst s10  }
0x32: {  	s10 =	sld [smem:$0x3FB4];
	_ =	sdelay $0x3  }
0x33: {  	p0 =	seq.s32 s10, $0x1;
	s10 =	sld [smem:$0x3FB6];
	_ =	sdelay $0x3  }
0x34: {  	[smem:$0x3FB6] =	sst s10  }
0x35: {  	s10 =	sld [smem:$0x3FB5];
	_ =	sdelay $0x3  }
0x36: {  	p1 =	seq.s32 s10, $0x1;
	s10 =	sld [smem:$0x3FB6];
	_ =	sdelay $0x3  }
0x37: {  	[smem:$0x3FB6] =	sst s10  }
0x38: {  	s10 =	sld [smem:$0x3FB7]  }
0x39: {  	_ = 	snop;
	(pc) =	sbr.ind lr, $3  }
0x3a: {  	_ = 	snop  }
0x3b: {  	_ = 	snop  }
0x3c: {  	p2 =	seq.s32 s10, $0x1;
	s10 =	sld [smem:$0x3FB6]  }
0x3d: {  	_ =	shalt  }
0x3e: {  	_ =	shalt  }
0x3f: {  	_ =	shalt  }
0x40: {  	_ =	shalt  }
0x41: {  	_ =	shalt  }
0x42: {  	_ =	shalt  }
0x43: {  	_ =	shalt  }
0x44: {  	_ =	shalt  }
0x45: {  	_ =	shalt  }
0x46: {  	_ =	shalt  }
0x47: {  	_ =	shalt  }
0x48: {  	_ =	shalt  }
0x49: {  	_ =	shalt  }
0x4a: {  	_ =	shalt  }
0x4b: {  	_ =	shalt  }
0x4c: {  	_ =	shalt  }
0x4d: {  	_ =	shalt  }
0x4e: {  	_ =	shalt  }
0x4f: {  	_ =	shalt  }
0x50: {  	_ =	shalt  }
0x51: {  	_ =	shalt  }
0x52: {  	_ =	shalt  }
0x53: {  	_ =	shalt  }
0x54: {  	_ =	shalt  }
0x55: {  	_ =	shalt  }
0x56: {  	_ =	shalt  }
0x57: {  	_ =	shalt  }
0x58: {  	_ =	shalt  }
0x59: {  	_ =	shalt  }
0x5a: {  	_ =	shalt  }
0x5b: {  	_ =	shalt  }
0x5c: {  	_ =	shalt  }
0x5d: {  	_ =	shalt  }
0x5e: {  	_ =	shalt  }
0x5f: {  	_ =	shalt  }
0x60: {  	_ =	shalt  }
0x61: {  	_ =	shalt  }
0x62: {  	_ =	shalt  }
0x63: {  	_ =	shalt  }
0x64: {  	_ =	shalt  }
0x65: {  	_ =	shalt  }
0x66: {  	_ =	shalt  }
0x67: {  	_ =	shalt  }
0x68: {  	_ =	shalt  }
0x69: {  	_ =	shalt  }
0x6a: {  	_ =	shalt  }
0x6b: {  	_ =	shalt  }
0x6c: {  	_ =	shalt  }
0x6d: {  	_ =	shalt  }
0x6e: {  	_ =	shalt  }
0x6f: {  	_ =	shalt  }
0x70: {  	_ =	shalt  }
0x71: {  	_ =	shalt  }
0x72: {  	_ =	shalt  }
0x73: {  	_ =	shalt  }
0x74: {  	_ =	shalt  }
0x75: {  	_ =	shalt  }
0x76: {  	_ =	shalt  }
0x77: {  	_ =	shalt  }
0x78: {  	_ =	shalt  }
0x79: {  	_ =	shalt  }
0x7a: {  	_ =	shalt  }
0x7b: {  	_ =	shalt  }
0x7c: {  	_ =	shalt  }
0x7d: {  	_ =	shalt  }
0x7e: {  	_ =	shalt  }
0x7f: {  	_ =	shalt  }
0x80: {  	_ =	shalt  }
0x81: {  	_ =	shalt  }
0x82: {  	_ =	shalt  }
0x83: {  	_ =	shalt  }
0x84: {  	_ =	shalt  }
0x85: {  	_ =	shalt  }
0x86: {  	_ =	shalt  }
0x87: {  	_ =	shalt  }
.Lfunc_end0:
.L_simem_size_0:
called_computation.1_lowered:
.L_overlay_start_0:
0x88: {  	s2 =	sld [smem:$0x3FD9]  }
0x89: {  	s3 =	sld [smem:$0x3FFE];
	_ =	sdelay $0x1  }
0x8a: {  	s1 =	srdreg.scid  }
0x8b: {  	s0 =	sand.u32 $0x1, s1  }
0x8c: {  	s17 =	sshll.u32 s0, $0xA;
	s2 =	sadd.s32 s3, s2  }
0x8d: {  	s2 =	sadd.s32 s2, s17  }
0x8e: {  	[smem:$0x3FC2] =	sst s2  }
0x8f: {  	_ = 	snop  }
0x90: {  	s2 =	sld [smem:$0x3FD0];
	(tm) =	ssettm $0x1  }
0x91: {  	s18 =	sld [smem:$0x3FFB];
	_ =	sdelay $0x3  }
0x92: {  	_ =	strace s18  }
0x93: {  	s3 =	sld [smem:$0x3FFC];
	_ =	sdelay $0x3  }
0x94: {  	_ =	strace s3  }
0x95: {  	s3 =	sld [smem:$0x3FFD];
	_ =	sdelay $0x3  }
0x96: {  	_ =	strace s3  }
0x97: {  	_ =	strace $0x8FFFFFFF  }
0x98: {  	s19 =	sld [smem:$0x3FDB];
	_ =	sdelay $0x1  }
0x99: {  	s4 =	simm.s32 $_scs_section_size  }
0x9a: {  	s5 =	simm.s32 $_size__tile_overlayer_lowered;
	s6 =	simm.s32 $_tile_overlayer_lowered  }
0x9b: {  	s22 =	simm.s32 $0x1BFF;
	s21 =	sshll.u32 s6, $0x1;
	s3 =	sadd.s32 s4, s19  }
0x9c: {  	s7 =	simm.s32 $0x0;
	s20 =	sshll.u32 s5, $0x1;
	s5 =	sadd.s32 s21, s3  }
0x9d: {  	[timem:s7], [sflag:s22] =	dma.local [hbm:s5], s20  }
0x9e: {  	_ =	swait.ge [sflag:s22], s20  }
0x9f: {  	s4 =	ssub.s32 $0x0, s20;
	[sflag:s22] =	ssyncset.done $0x0  }
0xa0: {  	[sflag:s22] =	ssyncadd.s32 s4;
	_ =	sdelay $0x1  }
0xa1: {  	s23 =	simm.s32 $0x1B8B  }
0xa2: {  	_ =	swait.ge [sflag:s23], $0x1  }
0xa3: {  	[sflag:s23] =	ssyncset.done $0x0  }
0xa4: {  	s25 =	simm.s32 $0x1B8E;
	s24 =	sld [smem:$0x3FFE];
	[sflag:s23] =	ssyncadd.s32 $0xFFFFFFFF  }
0xa5: {  	s26 =	simm.s32 $execute0_lowered;
	[smem:$0x3FD2] =	sst s25  }
0xa6: {  	s5 =	sshll.u32 s26, $0x1;
	_ =	strace $0x80000049;
	[dreg:$0x1] =	wrdreg $0xFFFFFFFF  }
0xa7: {  	s28 =	simm.s32 $_size_execute0_lowered;
	s3 =	sadd.s32 s3, s5;
	[dreg:$0x0] =	wrdreg $0x0  }
0xa8: {  	s5 =	sshll.u32 s28, $0x1;
	[dreg:$0x2] =	wrdreg s3  }
0xa9: {  	[dreg:$0x3] =	wrdreg s5  }
0xaa: {  	[dreg:$0x4] =	wrdreg $0xC0  }
0xab: {  	_ =	task [dreg:s7], $0x5FFFF  }
0xac: {  	[dreg:$0x1] =	wrdreg $0xFFFFFFFF  }
0xad: {  	[dreg:$0x0] =	wrdreg $0x60  }
0xae: {  	[dreg:$0x2] =	wrdreg s24  }
0xaf: {  	[dreg:$0x3] =	wrdreg s2  }
0xb0: {  	[dreg:$0x4] =	wrdreg $0x82000  }
0xb1: {  	[dreg:$0x5] =	wrdreg $0x9  }
0xb2: {  	_ =	task.clear_ibuf [dreg:s7], $0x6FFFF;
	_ =	strace $0x90000049  }
0xb3: {  	s29 =	simm.s32 $0x9;
	_ =	strace $0x8000004B  }
0xb4: {  	_ =	swait.ge [sflag:s29], $0x1  }
0xb5: {  	[sflag:s29] =	ssyncadd.s32 $0xFFFFFFFF  }
0xb6: {  	_ =	strace $0x9000004B  }
0xb7: {  	_ =	sfence  }
0xb8: {  	s30 =	sld [smem:$0x0];
	_ =	sdelay $0x2  }
0xb9: {  	s31 =	sshll.u32 s1, $0xD;
	s1 =	sshrl.u32 s1, $0x2  }
0xba: {  	s3 =	sand.u32 $0x4000, s31;
	s1 =	sadd.s32 s1, s30  }
0xbb: {  	s0 =	sor.u32 s3, s0;
	s1 =	sshll.u32 s1, $0x11  }
0xbc: {  	s0 =	sor.u32 s1, s0  }
0xbd: {  	s0 =	sadd.s32 $0x8F2B, s0  }
0xbe: {  	[sflag:s0] =	ssyncadd.remote.s32 $0x1  }
0xbf: {  	_ =	sfence.sel $0xFFFF  }
0xc0: {  	[dreg:$0x0] =	wrdreg $0xFFFFFFFF;
	(pc) =	sbr.abs _section_cstart, $3  }
0xc1: {  	[dreg:$0x1] =	wrdreg $0xFFFFFFFF  }
0xc2: {  	_ =	task.clear_ibuf [dreg:s7], $0x2FFFF;
	_ =	strace $0x9FFFFFFF  }
0xc3: {  	(tm) =	ssettm $0x7FFFFFFF  }
tec
execute0_lowered:
.L_overlay_start_1:
0x0: {  	(tag) =	ssettag $0x1  }
0x1: {  	s0 =	rddreg [dreg:$0x0]  }
0x2: {  	s1 =	rddreg [dreg:$0x1];
	s17 =	stileid.u32  }
0x3: {  	s2 =	rddreg [dreg:$0x2];
	s7 =	smul.u32 $0x50000, s17  }
0x4: {  	s4 =	simm.s32 $0x0;
	s3 =	srdreg.scid;
	s11 =	smul.u32 $0x4F, s17  }
0x5: {  	[smem:$0x7FF] =	sst s4;
	s3 =	sand.u32 $0x1, s3;
	s30 =	smul.u32 $0x14000, s17  }
0x6: {  	s5 =	sadd.s32 $0x2400, s0;
	s6 =	sadd.s32 $0x52C00, s0;
	s28 =	smul.u32 $0x2780, s17  }
0x7: {  	s12 =	sadd.s32 $0x1C00, s0;
	s0 =	sadd.s32 $0x5CA00, s0;
	s9 =	smul.u32 $0x4F0, s3  }
0x8: {  	_ =	strace $0x8000004A;
	s8 =	ssub.s32 $0x2, s3;
	s19 =	smul.u32 $0x140000, s3  }
0x9: {  	[dreg:$0x4] =	wrdreg s12;
	s3 =	smul.u32 $0x27800, s3;
	s12 =	simm.s32 $0x2  }
0xa: {  	s10 =	sshrl.u32 s8, $0x1;
	s7 =	sshrl.u32 s7, $0x2;
	s22 =	sadd.s32 $0x4000, s30  }
0xb: {  	s16 =	sadd.s32 $0x8000, s30;
	s25 =	sadd.s32 $0xC000, s30;
	s10 =	ssub.s32 s8, s10  }
0xc: {  	s9 =	sadd.s32 s11, s9;
	s8 =	sadd.s32 s7, s2;
	s14 =	sadd.s32 s19, s30  }
0xd: {  	s15 =	sadd.s32 s19, s22;
	s24 =	sadd.s32 s19, s16;
	s11 =	sadd.s32 $0x10000, s30  }
0xe: {  	s26 =	sadd.s32 s19, s25;
	s17 =	sadd.s32 s22, s2;
	s18 =	sshll.u32 s9, $0x4  }
0xf: {  	s14 =	sshrl.u32 s14, $0x3;
	s15 =	sshrl.u32 s15, $0x3;
	s9 =	sadd.s32 s19, s11  }
0x10: {  	s19 =	sadd.s32 s16, s2;
	s11 =	sadd.s32 s11, s2;
	s20 =	sadd.s32 s6, s18  }
0x11: {  	s31 =	sadd.s32 $0xC000, s8;
	s21 =	sadd.s32 s1, s18;
	[dreg:$0x5] =	wrdreg s20  }
0x12: {  	s16 =	simm.s32 $0x7;
	s14 =	sadd.s32 s0, s14;
	[dreg:$0x6] =	wrdreg s21  }
0x13: {  	s13 =	sadd.s32 $0x10, s18;
	s23 =	sadd.s32 s0, s15;
	[dreg:$0x7] =	wrdreg s14  }
0x14: {  	s9 =	sshrl.u32 s9, $0x3;
	[dreg:$0x8] =	wrdreg s23;
	s29 =	sadd.s32 s6, s13  }
0x15: {  	s7 =	sadd.s32 $0x4E0, s18;
	s30 =	sadd.s32 s1, s13;
	[dreg:$0xc] =	wrdreg s29  }
0x16: {  	s15 =	simm.s32 $0x5;
	s13 =	sadd.s32 s1, s7;
	[dreg:$0xd] =	wrdreg s30  }
0x17: {  	s14 =	sshrl.u32 s24, $0x3;
	s24 =	sshrl.u32 s17, $0x3;
	[dreg:$0xf] =	wrdreg s13  }
0x18: {  	s20 =	sadd.s32 s25, s2;
	s25 =	sshrl.u32 s19, $0x3;
	[dreg:$0x11] =	wrdreg s24  }
0x19: {  	s17 =	simm.s32 $0x1;
	s14 =	sadd.s32 s0, s14;
	[dreg:$0x12] =	wrdreg s25  }
0x1a: {  	s19 =	simm.s32 $0x6;
	s29 =	sadd.s32 $0x4000, s8;
	[dreg:$0x9] =	wrdreg s14  }
0x1b: {  	s30 =	sadd.s32 $0x8000, s8;
	s13 =	simm.s32 $0x4;
	[dreg:$0x15] =	wrdreg s29  }
0x1c: {  	s14 =	sshrl.u32 s26, $0x3;
	s26 =	sshrl.u32 s20, $0x3;
	[dreg:$0x16] =	wrdreg s30  }
0x1d: {  	s24 =	simm.s32 $0x0;
	s14 =	sadd.s32 s0, s14;
	[dreg:$0x13] =	wrdreg s26  }
0x1e: {  	s20 =	simm.s32 $0x8;
	s0 =	sadd.s32 s0, s9;
	[dreg:$0xa] =	wrdreg s14  }
0x1f: {  	s9 =	sadd.s32 s6, s7;
	[dreg:$0xb] =	wrdreg s0;
	s0 =	sadd.s32 s28, s3  }
0x20: {  	[dreg:$0xe] =	wrdreg s9;
	s14 =	smax.u32 s10, $0x1;
	s28 =	sshrl.u32 s11, $0x3  }
0x21: {  	s3 =	simm.s32 $0x200;
	s9 =	simm.s32 $0x100;
	s10 =	simm.s32 $0x80  }
0x22: {  	s11 =	simm.s32 $0x180;
	[dreg:$0x10] =	wrdreg s14;
	s18 =	sadd.s32 $0x180, s0  }
0x23: {  	s23 =	sadd.s32 $0x100, s0;
	[dreg:$0x14] =	wrdreg s28;
	s0 =	sadd.s32 $0x10000, s8  }
0x24: {  	s14 =	simm.s32 $0x4200;
	s7 =	sshrl.u32 s18, $0x3;
	s18 =	simm.s32 $0x3  }
0x25: {  	s21 =	sadd.s32 s7, s1;
	s22 =	sadd.s32 s7, s6;
	s7 =	simm.s32 $0x9  }
.LBB2_1:
0x26: {  	s25 =	rddreg [dreg:$0x4]  }
0x27: {  	[tilespmem:s3], [sflag:$0x9] =	stream.linear.gather [hbm4b:s25+s4], $0x4000, $0x38;
	[tilespmem:$0x1C200] =	vst v63  }
0x28: {  	_ =	swait.ge [sflag:s7], $0x4000  }
0x29: {  	[sflag:s7] =	ssyncset.done $0x0  }
0x2a: {  	[sflag:s7] =	ssyncadd.s32 $0xFFFFC000  }
0x2b: {  	[spmem:s8] =	stream.linear.scatter [tilespmem:s3], [sflag:$0x9], $0x4000, $0x38;
	[tilespmem:$0x1C200] =	vst v63  }
0x2c: {  	_ =	swait.ge [sflag:s7], $0x4000  }
0x2d: {  	[sflag:s7] =	ssyncset.done $0x0  }
0x2e: {  	s30 =	rddreg [dreg:$0x15];
	[sflag:s7] =	ssyncadd.s32 $0xFFFFC000  }
0x2f: {  	[spmem:s30] =	stream.linear.scatter [tilespmem:s3], [sflag:$0x9], $0x4000, $0x38;
	[tilespmem:$0x1C200] =	vst v63  }
0x30: {  	_ =	swait.ge [sflag:s7], $0x4000  }
0x31: {  	[sflag:s7] =	ssyncset.done $0x0  }
0x32: {  	s26 =	rddreg [dreg:$0x16];
	[sflag:s7] =	ssyncadd.s32 $0xFFFFC000  }
0x33: {  	[spmem:s26] =	stream.linear.scatter [tilespmem:s3], [sflag:$0x9], $0x4000, $0x38;
	[tilespmem:$0x1C200] =	vst v63  }
0x34: {  	_ =	swait.ge [sflag:s7], $0x4000  }
0x35: {  	[sflag:s7] =	ssyncset.done $0x0  }
0x36: {  	[sflag:s7] =	ssyncadd.s32 $0xFFFFC000  }
0x37: {  	[spmem:s31] =	stream.linear.scatter [tilespmem:s3], [sflag:$0x9], $0x4000, $0x38;
	[tilespmem:$0x1C200] =	vst v63  }
0x38: {  	_ =	swait.ge [sflag:s7], $0x4000  }
0x39: {  	[sflag:s7] =	ssyncset.done $0x0  }
0x3a: {  	[sflag:s7] =	ssyncadd.s32 $0xFFFFC000  }
0x3b: {  	[spmem:s0] =	stream.linear.scatter [tilespmem:s3], [sflag:$0x9], $0x4000, $0x38;
	[tilespmem:$0x1C200] =	vst v63  }
0x3c: {  	_ =	swait.ge [sflag:s7], $0x4000  }
0x3d: {  	[sflag:s7] =	ssyncset.done $0x0  }
0x3e: {  	[sflag:s7] =	ssyncadd.s32 $0xFFFFC000  }
0x3f: {  	[bflag:$0x0] =	sbarrier.arrive $0xFFFF  }
0x40: {  	s28 =	rddreg [dreg:$0x5]  }
0x41: {  	[tilespmem:s4], [sflag:$0x9] =	stream.linear.gather [hbm4b:s28+s4], $0x80, $0x38;
	[tilespmem:$0x1C200] =	vst v63  }
0x42: {  	_ =	swait.ge [sflag:s7], $0x80  }
0x43: {  	[sflag:s7] =	ssyncset.done $0x0  }
0x44: {  	s29 =	rddreg [dreg:$0x6];
	[sflag:s7] =	ssyncadd.s32 $0xFFFFFF80  }
0x45: {  	[tilespmem:s9], [sflag:$0x9] =	stream.linear.gather [hbm4b:s29+s4], $0x80, $0x38;
	[tilespmem:$0x1C200] =	vst v63  }
0x46: {  	_ =	swait.ge [sflag:s7], $0x80  }
0x47: {  	[sflag:s7] =	ssyncset.done $0x0  }
0x48: {  	[sflag:s7] =	ssyncadd.s32 $0xFFFFFF80  }
0x49: {  	[tilespmem:s3], [sflag:$0x5] =	stream.indirect.gather [hbm4b:s5+s10], $0x80, s4, s10, $0xb8;
	[tilespmem:$0x1C200] =	vst v63  }
0x4a: {  	s30 =	rddreg [dreg:$0xc]  }
0x4b: {  	[tilespmem:s10], [sflag:$0x2] =	stream.linear.gather [hbm4b:s30+s4], $0x80, $0x38;
	[tilespmem:$0x1C200] =	vst v63  }
0x4c: {  	s26 =	rddreg [dreg:$0xd]  }
0x4d: {  	[tilespmem:s11], [sflag:$0x4] =	stream.linear.gather [hbm4b:s26+s4], $0x80, $0x38;
	[tilespmem:$0x1C200] =	vst v63  }
0x4e: {  	_ =	swait.ge [sflag:s12], $0x80  }
0x4f: {  	[sflag:s12] =	ssyncset.done $0x0  }
0x50: {  	[sflag:s12] =	ssyncadd.s32 $0xFFFFFF80  }
0x51: {  	_ =	swait.ge [sflag:s13], $0x80  }
0x52: {  	[sflag:s13] =	ssyncset.done $0x0  }
0x53: {  	[sflag:s13] =	ssyncadd.s32 $0xFFFFFF80  }
0x54: {  	[tilespmem:s14], [sflag:$0x6] =	stream.indirect.gather [hbm4b:s5+s10], $0x80, s10, s10, $0xb8;
	[tilespmem:$0x1C200] =	vst v63  }
0x55: {  	_ =	swait.ge [sflag:s15], $0x4000  }
0x56: {  	[sflag:s15] =	ssyncset.done $0x0  }
0x57: {  	[sflag:s15] =	ssyncadd.s32 $0xFFFFC000  }
0x58: {  	[spmem:s2] =	stream.indirect.scatter.add.f32 [tilespmem:s3], [sflag:$0x7], $0x80, s9, s10, $0xb8;
	[tilespmem:$0x1C200] =	vst v63  }
0x59: {  	_ =	swait.ge [sflag:s16], $0x4000  }
0x5a: {  	s28 =	sshrl.u32 s23, $0x3;
	[sflag:s16] =	ssyncset.done $0x0  }
0x5b: {  	s26 =	sadd.s32 s6, s28;
	[sflag:s16] =	ssyncadd.s32 $0xFFFFC000  }
0x5c: {  	[tilespmem:s4], [sflag:$0x1] =	stream.linear.gather [hbm4b:s26+s4], $0x80, $0x38;
	[tilespmem:$0x1C200] =	vst v63  }
0x5d: {  	s25 =	sadd.s32 s1, s28  }
0x5e: {  	[tilespmem:s9], [sflag:$0x3] =	stream.linear.gather [hbm4b:s25+s4], $0x80, $0x38;
	[tilespmem:$0x1C200] =	vst v63  }
0x5f: {  	_ =	swait.ge [sflag:s17], $0x80  }
0x60: {  	[sflag:s17] =	ssyncset.done $0x0  }
0x61: {  	[sflag:s17] =	ssyncadd.s32 $0xFFFFFF80  }
0x62: {  	_ =	swait.ge [sflag:s18], $0x80  }
0x63: {  	[sflag:s18] =	ssyncset.done $0x0  }
0x64: {  	[sflag:s18] =	ssyncadd.s32 $0xFFFFFF80  }
0x65: {  	[tilespmem:s3], [sflag:$0x5] =	stream.indirect.gather [hbm4b:s5+s10], $0x80, s4, s10, $0xb8;
	[tilespmem:$0x1C200] =	vst v63  }
0x66: {  	_ =	swait.ge [sflag:s19], $0x4000  }
0x67: {  	[sflag:s19] =	ssyncset.done $0x0  }
0x68: {  	[sflag:s19] =	ssyncadd.s32 $0xFFFFC000  }
0x69: {  	[spmem:s2] =	stream.indirect.scatter.add.f32 [tilespmem:s14], [sflag:$0x8], $0x80, s11, s10, $0xb8;
	[tilespmem:$0x1C200] =	vst v63  }
0x6a: {  	_ =	swait.ge [sflag:s20], $0x4000  }
0x6b: {  	[sflag:s20] =	ssyncset.done $0x0  }
0x6c: {  	s29 =	sadd.s32 $0x0, s22;
	[sflag:s20] =	ssyncadd.s32 $0xFFFFC000  }
0x6d: {  	[tilespmem:s10], [sflag:$0x2] =	stream.linear.gather [hbm4b:s29+s4], $0x80, $0x38;
	[tilespmem:$0x1C200] =	vst v63  }
0x6e: {  	s30 =	sadd.s32 $0x0, s21  }
0x6f: {  	[tilespmem:s11], [sflag:$0x4] =	stream.linear.gather [hbm4b:s30+s4], $0x80, $0x38;
	[tilespmem:$0x1C200] =	vst v63  }
0x70: {  	_ =	swait.ge [sflag:s12], $0x80  }
0x71: {  	[sflag:s12] =	ssyncset.done $0x0  }
0x72: {  	[sflag:s12] =	ssyncadd.s32 $0xFFFFFF80  }
0x73: {  	_ =	swait.ge [sflag:s13], $0x80  }
0x74: {  	[sflag:s13] =	ssyncset.done $0x0  }
0x75: {  	[sflag:s13] =	ssyncadd.s32 $0xFFFFFF80  }
0x76: {  	[tilespmem:s14], [sflag:$0x6] =	stream.indirect.gather [hbm4b:s5+s10], $0x80, s10, s10, $0xb8;
	[tilespmem:$0x1C200] =	vst v63  }
0x77: {  	_ =	swait.ge [sflag:s15], $0x4000  }
0x78: {  	[sflag:s15] =	ssyncset.done $0x0  }
0x79: {  	s26 =	sadd.s32 $0x100, s23;
	s25 =	simm.s32 $0x20;
	[sflag:s15] =	ssyncadd.s32 $0xFFFFC000  }
.LBB2_2:
0x7a: {  	[spmem:s2] =	stream.indirect.scatter.add.f32 [tilespmem:s3], [sflag:$0x7], $0x80, s9, s10, $0xb8;
	[tilespmem:$0x1C200] =	vst v63  }
0x7b: {  	s28 =	smov.u32 s25  }
0x7c: {  	p0 =	sne.s32 s25, $0x4A0;
	s25 =	sadd.s32 $0x20, s25;
	_ =	swait.ge [sflag:s16], $0x4000  }
0x7d: {  	s29 =	sshrl.u32 s26, $0x3;
	[sflag:s16] =	ssyncset.done $0x0  }
0x7e: {  	s30 =	sadd.s32 s6, s29;
	[sflag:s16] =	ssyncadd.s32 $0xFFFFC000  }
0x7f: {  	[tilespmem:s4], [sflag:$0x1] =	stream.linear.gather [hbm4b:s30+s4], $0x80, $0x38;
	[tilespmem:$0x1C200] =	vst v63  }
0x80: {  	s29 =	sadd.s32 s1, s29  }
0x81: {  	[tilespmem:s9], [sflag:$0x3] =	stream.linear.gather [hbm4b:s29+s4], $0x80, $0x38;
	[tilespmem:$0x1C200] =	vst v63  }
0x82: {  	_ =	swait.ge [sflag:s17], $0x80  }
0x83: {  	[sflag:s17] =	ssyncset.done $0x0  }
0x84: {  	[sflag:s17] =	ssyncadd.s32 $0xFFFFFF80  }
0x85: {  	_ =	swait.ge [sflag:s18], $0x80  }
0x86: {  	[sflag:s18] =	ssyncset.done $0x0  }
0x87: {  	[sflag:s18] =	ssyncadd.s32 $0xFFFFFF80  }
0x88: {  	[tilespmem:s3], [sflag:$0x5] =	stream.indirect.gather [hbm4b:s5+s10], $0x80, s4, s10, $0xb8;
	[tilespmem:$0x1C200] =	vst v63  }
0x89: {  	_ =	swait.ge [sflag:s19], $0x4000  }
0x8a: {  	[sflag:s19] =	ssyncset.done $0x0  }
0x8b: {  	[sflag:s19] =	ssyncadd.s32 $0xFFFFC000  }
0x8c: {  	[spmem:s2] =	stream.indirect.scatter.add.f32 [tilespmem:s14], [sflag:$0x8], $0x80, s11, s10, $0xb8;
	[tilespmem:$0x1C200] =	vst v63  }
0x8d: {  	_ =	swait.ge [sflag:s20], $0x4000  }
0x8e: {  	[sflag:s20] =	ssyncset.done $0x0  }
0x8f: {  	s29 =	sadd.s32 s28, s22;
	[sflag:s20] =	ssyncadd.s32 $0xFFFFC000  }
0x90: {  	[tilespmem:s10], [sflag:$0x2] =	stream.linear.gather [hbm4b:s29+s4], $0x80, $0x38;
	[tilespmem:$0x1C200] =	vst v63  }
0x91: {  	s28 =	sadd.s32 s28, s21  }
0x92: {  	[tilespmem:s11], [sflag:$0x4] =	stream.linear.gather [hbm4b:s28+s4], $0x80, $0x38;
	[tilespmem:$0x1C200] =	vst v63  }
0x93: {  	_ =	swait.ge [sflag:s12], $0x80  }
0x94: {  	[sflag:s12] =	ssyncset.done $0x0  }
0x95: {  	[sflag:s12] =	ssyncadd.s32 $0xFFFFFF80  }
0x96: {  	_ =	swait.ge [sflag:s13], $0x80  }
0x97: {  	[sflag:s13] =	ssyncset.done $0x0  }
.Ltmp0:
0x98: {  	[sflag:s13] =	ssyncadd.s32 $0xFFFFFF80;
	(pc) =	sbr.rel @p0 .LBB2_2-.Ltmp0, $4  }
0x99: {  	[tilespmem:s14], [sflag:$0x6] =	stream.indirect.gather [hbm4b:s5+s10], $0x80, s10, s10, $0xb8;
	[tilespmem:$0x1C200] =	vst v63  }
0x9a: {  	_ =	swait.ge [sflag:s15], $0x4000  }
0x9b: {  	[sflag:s15] =	ssyncset.done $0x0  }
0x9c: {  	s26 =	sadd.s32 $0x100, s26;
	[sflag:s15] =	ssyncadd.s32 $0xFFFFC000  }
0x9d: {  	[spmem:s2] =	stream.indirect.scatter.add.f32 [tilespmem:s3], [sflag:$0x7], $0x80, s9, s10, $0xb8;
	[tilespmem:$0x1C200] =	vst v63  }
0x9e: {  	_ =	swait.ge [sflag:s16], $0x4000  }
0x9f: {  	[sflag:s16] =	ssyncset.done $0x0  }
0xa0: {  	s25 =	rddreg [dreg:$0xe];
	[sflag:s16] =	ssyncadd.s32 $0xFFFFC000  }
0xa1: {  	[tilespmem:s4], [sflag:$0x1] =	stream.linear.gather [hbm4b:s25+s4], $0x80, $0x38;
	[tilespmem:$0x1C200] =	vst v63  }
0xa2: {  	s28 =	rddreg [dreg:$0xf]  }
0xa3: {  	[tilespmem:s9], [sflag:$0x3] =	stream.linear.gather [hbm4b:s28+s4], $0x80, $0x38;
	[tilespmem:$0x1C200] =	vst v63  }
0xa4: {  	_ =	swait.ge [sflag:s17], $0x80  }
0xa5: {  	[sflag:s17] =	ssyncset.done $0x0  }
0xa6: {  	[sflag:s17] =	ssyncadd.s32 $0xFFFFFF80  }
0xa7: {  	_ =	swait.ge [sflag:s18], $0x80  }
0xa8: {  	[sflag:s18] =	ssyncset.done $0x0  }
0xa9: {  	[sflag:s18] =	ssyncadd.s32 $0xFFFFFF80  }
0xaa: {  	[tilespmem:s3], [sflag:$0x5] =	stream.indirect.gather [hbm4b:s5+s10], $0x80, s4, s10, $0xb8;
	[tilespmem:$0x1C200] =	vst v63  }
0xab: {  	_ =	swait.ge [sflag:s19], $0x4000  }
0xac: {  	[sflag:s19] =	ssyncset.done $0x0  }
0xad: {  	[sflag:s19] =	ssyncadd.s32 $0xFFFFC000  }
0xae: {  	[spmem:s2] =	stream.indirect.scatter.add.f32 [tilespmem:s14], [sflag:$0x8], $0x80, s11, s10, $0xb8;
	[tilespmem:$0x1C200] =	vst v63  }
0xaf: {  	_ =	swait.ge [sflag:s20], $0x4000  }
0xb0: {  	[sflag:s20] =	ssyncset.done $0x0  }
0xb1: {  	[sflag:s20] =	ssyncadd.s32 $0xFFFFC000  }
0xb2: {  	_ =	swait.ge [sflag:s15], $0x4000  }
0xb3: {  	[sflag:s15] =	ssyncset.done $0x0  }
0xb4: {  	[sflag:s15] =	ssyncadd.s32 $0xFFFFC000  }
0xb5: {  	[spmem:s2] =	stream.indirect.scatter.add.f32 [tilespmem:s3], [sflag:$0x7], $0x80, s9, s10, $0xb8;
	[tilespmem:$0x1C200] =	vst v63  }
0xb6: {  	_ =	swait.ge [sflag:s16], $0x4000  }
0xb7: {  	[sflag:s16] =	ssyncset.done $0x0  }
0xb8: {  	s29 =	stileid.u32;
	[sflag:s16] =	ssyncadd.s32 $0xFFFFC000  }
0xb9: {  	s25 =	sshll.u32 s29, $0x6;
	[bflag:$0x0] =	sbarrier.arrive $0xFFFF  }
0xba: {  	s26 =	sshrl.u32 s8, $0x3;
	s25 =	sor.u32 $0x1C09, s25;
	s28 =	rddreg [dreg:$0x7]  }
0xbb: {  	[hbm:s28], [sflag:s25] =	dma.local [spmem:s26], $0x800  }
0xbc: {  	_ =	swait.ge [sflag:s7], $0x800  }
0xbd: {  	[sflag:s7] =	ssyncset.done $0x0;
	s30 =	rddreg [dreg:$0x8]  }
0xbe: {  	s29 =	rddreg [dreg:$0x11];
	[sflag:s7] =	ssyncadd.s32 $0xFFFFF800  }
0xbf: {  	[hbm:s30], [sflag:s25] =	dma.local [spmem:s29], $0x800  }
0xc0: {  	_ =	swait.ge [sflag:s7], $0x800  }
0xc1: {  	[sflag:s7] =	ssyncset.done $0x0;
	s30 =	rddreg [dreg:$0x9]  }
0xc2: {  	s29 =	rddreg [dreg:$0x12];
	[sflag:s7] =	ssyncadd.s32 $0xFFFFF800  }
0xc3: {  	[hbm:s30], [sflag:s25] =	dma.local [spmem:s29], $0x800  }
0xc4: {  	_ =	swait.ge [sflag:s7], $0x800  }
0xc5: {  	[sflag:s7] =	ssyncset.done $0x0;
	s30 =	rddreg [dreg:$0xa]  }
0xc6: {  	s29 =	rddreg [dreg:$0x13];
	[sflag:s7] =	ssyncadd.s32 $0xFFFFF800  }
0xc7: {  	[hbm:s30], [sflag:s25] =	dma.local [spmem:s29], $0x800  }
0xc8: {  	_ =	swait.ge [sflag:s7], $0x800  }
0xc9: {  	[sflag:s7] =	ssyncset.done $0x0;
	s30 =	rddreg [dreg:$0xb]  }
0xca: {  	s29 =	rddreg [dreg:$0x14];
	[sflag:s7] =	ssyncadd.s32 $0xFFFFF800  }
0xcb: {  	[hbm:s30], [sflag:s25] =	dma.local [spmem:s29], $0x800  }
0xcc: {  	_ =	swait.ge [sflag:s7], $0x800  }
0xcd: {  	s24 =	sadd.s32 $0x1, s24;
	s30 =	rddreg [dreg:$0x10]  }
0xce: {  	p0 =	sne.s32 s24, s30  }
.Ltmp1:
0xcf: {  	_ = 	snop;
	(pc) =	sbr.rel @p0 .LBB2_1-.Ltmp1, $3  }
0xd0: {  	_ =	sdelay $0x1  }
0xd1: {  	[sflag:s7] =	ssyncset.done $0x0  }
0xd2: {  	[sflag:s7] =	ssyncadd.s32 $0xFFFFF800  }
0xd3: {  	_ =	sfence.sel $0x180000  }
0xd4: {  	[bflag:$0x0] =	sbarrier.arrive $0xFFFF  }
0xd5: {  	_ =	strace $0x9000004A  }
0xd6: {  	s0 =	stileid.u32;
	[bflag:$0x2] =	sbarrier.arrive $0xFFFF  }
0xd7: {  	p0 =	sne.s32 s0, $0x0;
	s0 =	rddreg [dreg:$0x3]  }
0xd8: {  	s0 =	sadd.s32 @!p0 $0x100000, s0  }
0xd9: {  	[sflag:s0] =	ssyncadd.tile.s32 @!p0 $0x1;
	_ =	shalt  }
.Lfunc_end2:
_tile_overlayer_lowered:
.L_overlay_start_2:
0xda: {  	(tag) =	ssettag $0x2  }
0xdb: {  	s0 =	rddreg [dreg:$0x0];
	s2 =	stileid.u32  }
0xdc: {  	s1 =	rddreg [dreg:$0x1];
	p0 =	sne.s32 s2, $0x0  }
0xdd: {  	s3 =	rddreg [dreg:$0x2];
	[bflag:$0x3] =	sbarrier.arrive $0xFFFF;
	s2 =	simm.s32 @!p0 $0x1C09  }
0xde: {  	[timem:s3], [sflag:s2] =	dma.local @!p0 [hbm:s0], s1  }
0xdf: {  	s0 =	simm.s32 @!p0 $0x9  }
0xe0: {  	_ =	swait.ge @!p0 [sflag:s0], s1  }
0xe1: {  	s1 =	ssub.s32 @!p0 $0x0, s1;
	[sflag:s0] =	ssyncset.done @!p0 $0x0  }
0xe2: {  	[sflag:s0] =	ssyncadd.s32 @!p0 s1  }
0xe3: {  	[bflag:$0x3] =	sbarrier.arrive $0xFFFF  }
0xe4: {  	_ =	shalt  }

// kernel: kernel.15.cloned.1.call-start
scs
__scs_entry_jumppad:
0x0: {  	(pc) =	sbr.rel $0x88, $3  }
0x1: {  	(tag) =	ssettag $0x0;
	lr =	simm.s32 $0x1  }
0x2: {  	[smem:$0x3F9B] =	sst lr;
	_ =	strace $0xD0000000  }
0x3: {  	_ = 	snop  }
0x4: {  	_ = 	snop  }
0x5: {  	_ = 	snop  }
0x6: {  	_ = 	snop  }
0x7: {  	_ = 	snop  }
__scs_overlays_trampoline_lowered:
0x8: {  	[smem:$0x3FAA] =	sst s0  }
0x9: {  	[smem:$0x3FAB] =	sst s1  }
0xa: {  	[smem:$0x3FAC] =	sst s2  }
0xb: {  	[smem:$0x3FAD] =	sst s3  }
0xc: {  	[smem:$0x3FAE] =	sst s4  }
0xd: {  	[smem:$0x3FAF] =	sst s5  }
0xe: {  	[smem:$0x3FB0] =	sst s6  }
0xf: {  	[smem:$0x3FB1] =	sst s7  }
0x10: {  	[smem:$0x3FB2] =	sst s8  }
0x11: {  	[smem:$0x3FB3] =	sst s9;
	s0 =	simm.s32 @!p0 $0x0  }
0x12: {  	s1 =	sld [smem:$0x3F99];
	s0 =	simm.s32 @p0 $0x1  }
0x13: {  	[smem:$0x3FB4] =	sst s0;
	s0 =	simm.s32 @!p1 $0x0  }
0x14: {  	s2 =	sld [smem:$0x3F98];
	s0 =	simm.s32 @p1 $0x1  }
0x15: {  	[smem:$0x3FB5] =	sst s0;
	s0 =	simm.s32 @!p2 $0x0  }
0x16: {  	s3 =	sld [smem:$0x3FDB];
	s0 =	simm.s32 @p2 $0x1  }
0x17: {  	s4 =	simm.s32 $0x1BF5;
	[smem:$0x3FB7] =	sst s0  }
0x18: {  	s0 =	sld [smem:$0x3F9A];
	_ =	swait.ge [sflag:s4], $0x0  }
0x19: {  	s7 =	sld [smem:$0x3F9B]  }
0x1a: {  	s8 =	sadd.s32 $0xFFFFE003, lr  }
0x1b: {  	s9 =	sadd.s32 $0xFFFFFEF7, lr;
	s5 =	simm.s32 $0xFFFFFFFF;
	p2 =	slt.u32 s8, $0xFFFFF086  }
0x1c: {  	p1 =	slt.u32 s9, $0xF7A;
	s5 =	simm.s32 @!p2 $0x0  }
0x1d: {  	s5 =	simm.s32 @p1 $0x1;
	p0 =	seq.s32 s7, s2  }
0x1e: {  	s7 =	smul.u32 @!p0 $0xF7A, s2;
	p2 =	seq.s32 @!p0 s5, $0x0  }
0x1f: {  	s9 =	smul.u32 $0xF7A, s1;
	s8 =	simm.s32 @!p0 $0x1BF5;
	p2 =	por !p2, p0  }
0x20: {  	[sflag:s8] =	ssyncset.s32 @!p0 $0xFFFFF086;
	s6 =	sadd.s32 @!p0 s3, s7;
	s7 =	simm.s32 @!p0 $0x108  }
0x21: {  	s3 =	sadd.s32 s3, s9;
	s6 =	sadd.s32 @!p0 $0x88, s6;
	s7 =	simm.s32 @p2 $0x1082  }
0x22: {  	[simem:s7], [sflag:s8] =	dma.local @!p0 [hbm:s6], $0xF7A  }
0x23: {  	s9 =	sor.u32 $0xD0000000, s2;
	s6 =	simm.s32 $0x108;
	_ =	swait.ge @!p0 [sflag:s8], $0x0  }
0x24: {  	s3 =	sadd.s32 $0x88, s3;
	s6 =	simm.s32 @!p1 $0x1082;
	[sflag:s4] =	ssyncset.s32 $0xFFFFF086  }
0x25: {  	[simem:s6], [sflag:s4] =	dma.local [hbm:s3], $0xF7A  }
0x26: {  	[smem:$0x3F9B] =	sst s1;
	(tag) =	ssettag s2;
	_ =	strace s9  }
0x27: {  	s1 =	sld [smem:$0x3FAB]  }
0x28: {  	s2 =	sld [smem:$0x3FAC]  }
0x29: {  	s4 =	sld [smem:$0x3FAE]  }
0x2a: {  	p0 =	seq.s32 s5, $0x0;
	s5 =	sld [smem:$0x3FAF]  }
0x2b: {  	s6 =	sld [smem:$0x3FB0]  }
0x2c: {  	s7 =	sld [smem:$0x3FB1]  }
0x2d: {  	s3 =	simm.s32 $0x108;
	s8 =	sld [smem:$0x3FB2]  }
0x2e: {  	s3 =	simm.s32 @!p0 $0x1082;
	s9 =	sld [smem:$0x3FB3]  }
0x2f: {  	lr =	sadd.s32 s0, s3;
	s0 =	sld [smem:$0x3FAA]  }
0x30: {  	s3 =	sld [smem:$0x3FAD]  }
0x31: {  	[smem:$0x3FB6] =	sst s10  }
0x32: {  	s10 =	sld [smem:$0x3FB4];
	_ =	sdelay $0x3  }
0x33: {  	p0 =	seq.s32 s10, $0x1;
	s10 =	sld [smem:$0x3FB6];
	_ =	sdelay $0x3  }
0x34: {  	[smem:$0x3FB6] =	sst s10  }
0x35: {  	s10 =	sld [smem:$0x3FB5];
	_ =	sdelay $0x3  }
0x36: {  	p1 =	seq.s32 s10, $0x1;
	s10 =	sld [smem:$0x3FB6];
	_ =	sdelay $0x3  }
0x37: {  	[smem:$0x3FB6] =	sst s10  }
0x38: {  	s10 =	sld [smem:$0x3FB7]  }
0x39: {  	_ = 	snop;
	(pc) =	sbr.ind lr, $3  }
0x3a: {  	_ = 	snop  }
0x3b: {  	_ = 	snop  }
0x3c: {  	p2 =	seq.s32 s10, $0x1;
	s10 =	sld [smem:$0x3FB6]  }
0x3d: {  	_ =	shalt  }
0x3e: {  	_ =	shalt  }
0x3f: {  	_ =	shalt  }
0x40: {  	_ =	shalt  }
0x41: {  	_ =	shalt  }
0x42: {  	_ =	shalt  }
0x43: {  	_ =	shalt  }
0x44: {  	_ =	shalt  }
0x45: {  	_ =	shalt  }
0x46: {  	_ =	shalt  }
0x47: {  	_ =	shalt  }
0x48: {  	_ =	shalt  }
0x49: {  	_ =	shalt  }
0x4a: {  	_ =	shalt  }
0x4b: {  	_ =	shalt  }
0x4c: {  	_ =	shalt  }
0x4d: {  	_ =	shalt  }
0x4e: {  	_ =	shalt  }
0x4f: {  	_ =	shalt  }
0x50: {  	_ =	shalt  }
0x51: {  	_ =	shalt  }
0x52: {  	_ =	shalt  }
0x53: {  	_ =	shalt  }
0x54: {  	_ =	shalt  }
0x55: {  	_ =	shalt  }
0x56: {  	_ =	shalt  }
0x57: {  	_ =	shalt  }
0x58: {  	_ =	shalt  }
0x59: {  	_ =	shalt  }
0x5a: {  	_ =	shalt  }
0x5b: {  	_ =	shalt  }
0x5c: {  	_ =	shalt  }
0x5d: {  	_ =	shalt  }
0x5e: {  	_ =	shalt  }
0x5f: {  	_ =	shalt  }
0x60: {  	_ =	shalt  }
0x61: {  	_ =	shalt  }
0x62: {  	_ =	shalt  }
0x63: {  	_ =	shalt  }
0x64: {  	_ =	shalt  }
0x65: {  	_ =	shalt  }
0x66: {  	_ =	shalt  }
0x67: {  	_ =	shalt  }
0x68: {  	_ =	shalt  }
0x69: {  	_ =	shalt  }
0x6a: {  	_ =	shalt  }
0x6b: {  	_ =	shalt  }
0x6c: {  	_ =	shalt  }
0x6d: {  	_ =	shalt  }
0x6e: {  	_ =	shalt  }
0x6f: {  	_ =	shalt  }
0x70: {  	_ =	shalt  }
0x71: {  	_ =	shalt  }
0x72: {  	_ =	shalt  }
0x73: {  	_ =	shalt  }
0x74: {  	_ =	shalt  }
0x75: {  	_ =	shalt  }
0x76: {  	_ =	shalt  }
0x77: {  	_ =	shalt  }
0x78: {  	_ =	shalt  }
0x79: {  	_ =	shalt  }
0x7a: {  	_ =	shalt  }
0x7b: {  	_ =	shalt  }
0x7c: {  	_ =	shalt  }
0x7d: {  	_ =	shalt  }
0x7e: {  	_ =	shalt  }
0x7f: {  	_ =	shalt  }
0x80: {  	_ =	shalt  }
0x81: {  	_ =	shalt  }
0x82: {  	_ =	shalt  }
0x83: {  	_ =	shalt  }
0x84: {  	_ =	shalt  }
0x85: {  	_ =	shalt  }
0x86: {  	_ =	shalt  }
0x87: {  	_ =	shalt  }
.Lfunc_end0:
.L_simem_size_0:
called_computation.2_lowered:
.L_overlay_start_0:
0x88: {  	s2 =	sld [smem:$0x3FD9]  }
0x89: {  	s3 =	sld [smem:$0x3FFE];
	_ =	sdelay $0x1  }
0x8a: {  	s1 =	srdreg.scid  }
0x8b: {  	s0 =	sand.u32 $0x1, s1  }
0x8c: {  	s17 =	sshll.u32 s0, $0xA;
	s2 =	sadd.s32 s3, s2  }
0x8d: {  	s2 =	sadd.s32 s2, s17  }
0x8e: {  	[smem:$0x3FC2] =	sst s2  }
0x8f: {  	_ = 	snop  }
0x90: {  	s2 =	sld [smem:$0x3FD0];
	(tm) =	ssettm $0x1  }
0x91: {  	s18 =	sld [smem:$0x3FFB];
	_ =	sdelay $0x3  }
0x92: {  	_ =	strace s18  }
0x93: {  	s3 =	sld [smem:$0x3FFC];
	_ =	sdelay $0x3  }
0x94: {  	_ =	strace s3  }
0x95: {  	s3 =	sld [smem:$0x3FFD];
	_ =	sdelay $0x3  }
0x96: {  	_ =	strace s3  }
0x97: {  	_ =	strace $0x8FFFFFFF  }
0x98: {  	s19 =	sld [smem:$0x3FDB];
	_ =	sdelay $0x1  }
0x99: {  	s4 =	simm.s32 $_scs_section_size  }
0x9a: {  	s5 =	simm.s32 $_size__tile_overlayer_lowered;
	s6 =	simm.s32 $_tile_overlayer_lowered  }
0x9b: {  	s22 =	simm.s32 $0x1BFF;
	s21 =	sshll.u32 s6, $0x1;
	s3 =	sadd.s32 s4, s19  }
0x9c: {  	s7 =	simm.s32 $0x0;
	s20 =	sshll.u32 s5, $0x1;
	s5 =	sadd.s32 s21, s3  }
0x9d: {  	[timem:s7], [sflag:s22] =	dma.local [hbm:s5], s20  }
0x9e: {  	_ =	swait.ge [sflag:s22], s20  }
0x9f: {  	s4 =	ssub.s32 $0x0, s20;
	[sflag:s22] =	ssyncset.done $0x0  }
0xa0: {  	[sflag:s22] =	ssyncadd.s32 s4;
	_ =	sdelay $0x1  }
0xa1: {  	s23 =	simm.s32 $0x1B8B  }
0xa2: {  	_ =	swait.ge [sflag:s23], $0x1  }
0xa3: {  	[sflag:s23] =	ssyncset.done $0x0  }
0xa4: {  	s25 =	simm.s32 $0x1B8E;
	s24 =	sld [smem:$0x3FFE];
	[sflag:s23] =	ssyncadd.s32 $0xFFFFFFFF  }
0xa5: {  	s26 =	simm.s32 $execute0_lowered;
	[smem:$0x3FD2] =	sst s25  }
0xa6: {  	s5 =	sshll.u32 s26, $0x1;
	_ =	strace $0x8000004C;
	[dreg:$0x1] =	wrdreg $0xFFFFFFFF  }
0xa7: {  	s28 =	simm.s32 $_size_execute0_lowered;
	s3 =	sadd.s32 s3, s5;
	[dreg:$0x0] =	wrdreg $0x0  }
0xa8: {  	s5 =	sshll.u32 s28, $0x1;
	[dreg:$0x2] =	wrdreg s3  }
0xa9: {  	[dreg:$0x3] =	wrdreg s5  }
0xaa: {  	[dreg:$0x4] =	wrdreg $0xC0  }
0xab: {  	_ =	task [dreg:s7], $0x5FFFF  }
0xac: {  	[dreg:$0x1] =	wrdreg $0xFFFFFFFF  }
0xad: {  	[dreg:$0x0] =	wrdreg $0x60  }
0xae: {  	[dreg:$0x2] =	wrdreg s24  }
0xaf: {  	[dreg:$0x3] =	wrdreg s2  }
0xb0: {  	[dreg:$0x4] =	wrdreg $0x82000  }
0xb1: {  	[dreg:$0x5] =	wrdreg $0x9  }
0xb2: {  	_ =	task.clear_ibuf [dreg:s7], $0x6FFFF;
	_ =	strace $0x9000004C  }
0xb3: {  	s29 =	simm.s32 $0x9;
	_ =	strace $0x8000004E  }
0xb4: {  	_ =	swait.ge [sflag:s29], $0x1  }
0xb5: {  	[sflag:s29] =	ssyncadd.s32 $0xFFFFFFFF  }
0xb6: {  	_ =	strace $0x9000004E  }
0xb7: {  	_ =	sfence  }
0xb8: {  	s30 =	sld [smem:$0x0];
	_ =	sdelay $0x2  }
0xb9: {  	s31 =	sshll.u32 s1, $0xD;
	s1 =	sshrl.u32 s1, $0x2  }
0xba: {  	s3 =	sand.u32 $0x4000, s31;
	s1 =	sadd.s32 s1, s30  }
0xbb: {  	s0 =	sor.u32 s3, s0;
	s1 =	sshll.u32 s1, $0x11  }
0xbc: {  	s0 =	sor.u32 s1, s0  }
0xbd: {  	s0 =	sadd.s32 $0x8F2B, s0  }
0xbe: {  	[sflag:s0] =	ssyncadd.remote.s32 $0x1  }
0xbf: {  	_ =	sfence.sel $0xFFFF  }
0xc0: {  	[dreg:$0x0] =	wrdreg $0xFFFFFFFF;
	(pc) =	sbr.abs _section_cstart, $3  }
0xc1: {  	[dreg:$0x1] =	wrdreg $0xFFFFFFFF  }
0xc2: {  	_ =	task.clear_ibuf [dreg:s7], $0x2FFFF;
	_ =	strace $0x9FFFFFFF  }
0xc3: {  	(tm) =	ssettm $0x7FFFFFFF  }
tec
execute0_lowered:
.L_overlay_start_1:
0x0: {  	(tag) =	ssettag $0x1  }
0x1: {  	s0 =	rddreg [dreg:$0x0]  }
0x2: {  	s1 =	rddreg [dreg:$0x1];
	s17 =	stileid.u32  }
0x3: {  	s2 =	rddreg [dreg:$0x2];
	s7 =	smul.u32 $0x50000, s17  }
0x4: {  	s4 =	simm.s32 $0x0;
	s3 =	srdreg.scid;
	s11 =	smul.u32 $0x4F, s17  }
0x5: {  	[smem:$0x7FF] =	sst s4;
	s3 =	sand.u32 $0x1, s3;
	s30 =	smul.u32 $0x14000, s17  }
0x6: {  	s5 =	sadd.s32 $0x2400, s0;
	s6 =	sadd.s32 $0x52C00, s0;
	s28 =	smul.u32 $0x2780, s17  }
0x7: {  	s12 =	sadd.s32 $0x1C00, s0;
	s0 =	sadd.s32 $0x5CA00, s0;
	s9 =	smul.u32 $0x4F0, s3  }
0x8: {  	_ =	strace $0x8000004D;
	s8 =	ssub.s32 $0x2, s3;
	s19 =	smul.u32 $0x140000, s3  }
0x9: {  	[dreg:$0x4] =	wrdreg s12;
	s3 =	smul.u32 $0x27800, s3;
	s12 =	simm.s32 $0x2  }
0xa: {  	s10 =	sshrl.u32 s8, $0x1;
	s7 =	sshrl.u32 s7, $0x2;
	s22 =	sadd.s32 $0x4000, s30  }
0xb: {  	s16 =	sadd.s32 $0x8000, s30;
	s25 =	sadd.s32 $0xC000, s30;
	s10 =	ssub.s32 s8, s10  }
0xc: {  	s9 =	sadd.s32 s11, s9;
	s8 =	sadd.s32 s7, s2;
	s14 =	sadd.s32 s19, s30  }
0xd: {  	s15 =	sadd.s32 s19, s22;
	s24 =	sadd.s32 s19, s16;
	s11 =	sadd.s32 $0x10000, s30  }
0xe: {  	s26 =	sadd.s32 s19, s25;
	s17 =	sadd.s32 s22, s2;
	s18 =	sshll.u32 s9, $0x4  }
0xf: {  	s14 =	sshrl.u32 s14, $0x3;
	s15 =	sshrl.u32 s15, $0x3;
	s9 =	sadd.s32 s19, s11  }
0x10: {  	s19 =	sadd.s32 s16, s2;
	s11 =	sadd.s32 s11, s2;
	s20 =	sadd.s32 s6, s18  }
0x11: {  	s31 =	sadd.s32 $0xC000, s8;
	s21 =	sadd.s32 s1, s18;
	[dreg:$0x5] =	wrdreg s20  }
0x12: {  	s16 =	simm.s32 $0x7;
	s14 =	sadd.s32 s0, s14;
	[dreg:$0x6] =	wrdreg s21  }
0x13: {  	s13 =	sadd.s32 $0x10, s18;
	s23 =	sadd.s32 s0, s15;
	[dreg:$0x7] =	wrdreg s14  }
0x14: {  	s9 =	sshrl.u32 s9, $0x3;
	[dreg:$0x8] =	wrdreg s23;
	s29 =	sadd.s32 s6, s13  }
0x15: {  	s7 =	sadd.s32 $0x4E0, s18;
	s30 =	sadd.s32 s1, s13;
	[dreg:$0xc] =	wrdreg s29  }
0x16: {  	s15 =	simm.s32 $0x5;
	s13 =	sadd.s32 s1, s7;
	[dreg:$0xd] =	wrdreg s30  }
0x17: {  	s14 =	sshrl.u32 s24, $0x3;
	s24 =	sshrl.u32 s17, $0x3;
	[dreg:$0xf] =	wrdreg s13  }
0x18: {  	s20 =	sadd.s32 s25, s2;
	s25 =	sshrl.u32 s19, $0x3;
	[dreg:$0x11] =	wrdreg s24  }
0x19: {  	s17 =	simm.s32 $0x1;
	s14 =	sadd.s32 s0, s14;
	[dreg:$0x12] =	wrdreg s25  }
0x1a: {  	s19 =	simm.s32 $0x6;
	s29 =	sadd.s32 $0x4000, s8;
	[dreg:$0x9] =	wrdreg s14  }
0x1b: {  	s30 =	sadd.s32 $0x8000, s8;
	s13 =	simm.s32 $0x4;
	[dreg:$0x15] =	wrdreg s29  }
0x1c: {  	s14 =	sshrl.u32 s26, $0x3;
	s26 =	sshrl.u32 s20, $0x3;
	[dreg:$0x16] =	wrdreg s30  }
0x1d: {  	s24 =	simm.s32 $0x0;
	s14 =	sadd.s32 s0, s14;
	[dreg:$0x13] =	wrdreg s26  }
0x1e: {  	s20 =	simm.s32 $0x8;
	s0 =	sadd.s32 s0, s9;
	[dreg:$0xa] =	wrdreg s14  }
0x1f: {  	s9 =	sadd.s32 s6, s7;
	[dreg:$0xb] =	wrdreg s0;
	s0 =	sadd.s32 s28, s3  }
0x20: {  	[dreg:$0xe] =	wrdreg s9;
	s14 =	smax.u32 s10, $0x1;
	s28 =	sshrl.u32 s11, $0x3  }
0x21: {  	s3 =	simm.s32 $0x200;
	s9 =	simm.s32 $0x100;
	s10 =	simm.s32 $0x80  }
0x22: {  	s11 =	simm.s32 $0x180;
	[dreg:$0x10] =	wrdreg s14;
	s18 =	sadd.s32 $0x180, s0  }
0x23: {  	s23 =	sadd.s32 $0x100, s0;
	[dreg:$0x14] =	wrdreg s28;
	s0 =	sadd.s32 $0x10000, s8  }
0x24: {  	s14 =	simm.s32 $0x4200;
	s7 =	sshrl.u32 s18, $0x3;
	s18 =	simm.s32 $0x3  }
0x25: {  	s21 =	sadd.s32 s7, s1;
	s22 =	sadd.s32 s7, s6;
	s7 =	simm.s32 $0x9  }
.LBB2_1:
0x26: {  	s25 =	rddreg [dreg:$0x4]  }
0x27: {  	[tilespmem:s3], [sflag:$0x9] =	stream.linear.gather [hbm4b:s25+s4], $0x4000, $0x38;
	[tilespmem:$0x1C200] =	vst v63  }
0x28: {  	_ =	swait.ge [sflag:s7], $0x4000  }
0x29: {  	[sflag:s7] =	ssyncset.done $0x0  }
0x2a: {  	[sflag:s7] =	ssyncadd.s32 $0xFFFFC000  }
0x2b: {  	[spmem:s8] =	stream.linear.scatter [tilespmem:s3], [sflag:$0x9], $0x4000, $0x38;
	[tilespmem:$0x1C200] =	vst v63  }
0x2c: {  	_ =	swait.ge [sflag:s7], $0x4000  }
0x2d: {  	[sflag:s7] =	ssyncset.done $0x0  }
0x2e: {  	s30 =	rddreg [dreg:$0x15];
	[sflag:s7] =	ssyncadd.s32 $0xFFFFC000  }
0x2f: {  	[spmem:s30] =	stream.linear.scatter [tilespmem:s3], [sflag:$0x9], $0x4000, $0x38;
	[tilespmem:$0x1C200] =	vst v63  }
0x30: {  	_ =	swait.ge [sflag:s7], $0x4000  }
0x31: {  	[sflag:s7] =	ssyncset.done $0x0  }
0x32: {  	s26 =	rddreg [dreg:$0x16];
	[sflag:s7] =	ssyncadd.s32 $0xFFFFC000  }
0x33: {  	[spmem:s26] =	stream.linear.scatter [tilespmem:s3], [sflag:$0x9], $0x4000, $0x38;
	[tilespmem:$0x1C200] =	vst v63  }
0x34: {  	_ =	swait.ge [sflag:s7], $0x4000  }
0x35: {  	[sflag:s7] =	ssyncset.done $0x0  }
0x36: {  	[sflag:s7] =	ssyncadd.s32 $0xFFFFC000  }
0x37: {  	[spmem:s31] =	stream.linear.scatter [tilespmem:s3], [sflag:$0x9], $0x4000, $0x38;
	[tilespmem:$0x1C200] =	vst v63  }
0x38: {  	_ =	swait.ge [sflag:s7], $0x4000  }
0x39: {  	[sflag:s7] =	ssyncset.done $0x0  }
0x3a: {  	[sflag:s7] =	ssyncadd.s32 $0xFFFFC000  }
0x3b: {  	[spmem:s0] =	stream.linear.scatter [tilespmem:s3], [sflag:$0x9], $0x4000, $0x38;
	[tilespmem:$0x1C200] =	vst v63  }
0x3c: {  	_ =	swait.ge [sflag:s7], $0x4000  }
0x3d: {  	[sflag:s7] =	ssyncset.done $0x0  }
0x3e: {  	[sflag:s7] =	ssyncadd.s32 $0xFFFFC000  }
0x3f: {  	[bflag:$0x0] =	sbarrier.arrive $0xFFFF  }
0x40: {  	s28 =	rddreg [dreg:$0x5]  }
0x41: {  	[tilespmem:s4], [sflag:$0x9] =	stream.linear.gather [hbm4b:s28+s4], $0x80, $0x38;
	[tilespmem:$0x1C200] =	vst v63  }
0x42: {  	_ =	swait.ge [sflag:s7], $0x80  }
0x43: {  	[sflag:s7] =	ssyncset.done $0x0  }
0x44: {  	s29 =	rddreg [dreg:$0x6];
	[sflag:s7] =	ssyncadd.s32 $0xFFFFFF80  }
0x45: {  	[tilespmem:s9], [sflag:$0x9] =	stream.linear.gather [hbm4b:s29+s4], $0x80, $0x38;
	[tilespmem:$0x1C200] =	vst v63  }
0x46: {  	_ =	swait.ge [sflag:s7], $0x80  }
0x47: {  	[sflag:s7] =	ssyncset.done $0x0  }
0x48: {  	[sflag:s7] =	ssyncadd.s32 $0xFFFFFF80  }
0x49: {  	[tilespmem:s3], [sflag:$0x5] =	stream.indirect.gather [hbm4b:s5+s10], $0x80, s4, s10, $0xb8;
	[tilespmem:$0x1C200] =	vst v63  }
0x4a: {  	s30 =	rddreg [dreg:$0xc]  }
0x4b: {  	[tilespmem:s10], [sflag:$0x2] =	stream.linear.gather [hbm4b:s30+s4], $0x80, $0x38;
	[tilespmem:$0x1C200] =	vst v63  }
0x4c: {  	s26 =	rddreg [dreg:$0xd]  }
0x4d: {  	[tilespmem:s11], [sflag:$0x4] =	stream.linear.gather [hbm4b:s26+s4], $0x80, $0x38;
	[tilespmem:$0x1C200] =	vst v63  }
0x4e: {  	_ =	swait.ge [sflag:s12], $0x80  }
0x4f: {  	[sflag:s12] =	ssyncset.done $0x0  }
0x50: {  	[sflag:s12] =	ssyncadd.s32 $0xFFFFFF80  }
0x51: {  	_ =	swait.ge [sflag:s13], $0x80  }
0x52: {  	[sflag:s13] =	ssyncset.done $0x0  }
0x53: {  	[sflag:s13] =	ssyncadd.s32 $0xFFFFFF80  }
0x54: {  	[tilespmem:s14], [sflag:$0x6] =	stream.indirect.gather [hbm4b:s5+s10], $0x80, s10, s10, $0xb8;
	[tilespmem:$0x1C200] =	vst v63  }
0x55: {  	_ =	swait.ge [sflag:s15], $0x4000  }
0x56: {  	[sflag:s15] =	ssyncset.done $0x0  }
0x57: {  	[sflag:s15] =	ssyncadd.s32 $0xFFFFC000  }
0x58: {  	[spmem:s2] =	stream.indirect.scatter.add.f32 [tilespmem:s3], [sflag:$0x7], $0x80, s9, s10, $0xb8;
	[tilespmem:$0x1C200] =	vst v63  }
0x59: {  	_ =	swait.ge [sflag:s16], $0x4000  }
0x5a: {  	s28 =	sshrl.u32 s23, $0x3;
	[sflag:s16] =	ssyncset.done $0x0  }
0x5b: {  	s26 =	sadd.s32 s6, s28;
	[sflag:s16] =	ssyncadd.s32 $0xFFFFC000  }
0x5c: {  	[tilespmem:s4], [sflag:$0x1] =	stream.linear.gather [hbm4b:s26+s4], $0x80, $0x38;
	[tilespmem:$0x1C200] =	vst v63  }
0x5d: {  	s25 =	sadd.s32 s1, s28  }
0x5e: {  	[tilespmem:s9], [sflag:$0x3] =	stream.linear.gather [hbm4b:s25+s4], $0x80, $0x38;
	[tilespmem:$0x1C200] =	vst v63  }
0x5f: {  	_ =	swait.ge [sflag:s17], $0x80  }
0x60: {  	[sflag:s17] =	ssyncset.done $0x0  }
0x61: {  	[sflag:s17] =	ssyncadd.s32 $0xFFFFFF80  }
0x62: {  	_ =	swait.ge [sflag:s18], $0x80  }
0x63: {  	[sflag:s18] =	ssyncset.done $0x0  }
0x64: {  	[sflag:s18] =	ssyncadd.s32 $0xFFFFFF80  }
0x65: {  	[tilespmem:s3], [sflag:$0x5] =	stream.indirect.gather [hbm4b:s5+s10], $0x80, s4, s10, $0xb8;
	[tilespmem:$0x1C200] =	vst v63  }
0x66: {  	_ =	swait.ge [sflag:s19], $0x4000  }
0x67: {  	[sflag:s19] =	ssyncset.done $0x0  }
0x68: {  	[sflag:s19] =	ssyncadd.s32 $0xFFFFC000  }
0x69: {  	[spmem:s2] =	stream.indirect.scatter.add.f32 [tilespmem:s14], [sflag:$0x8], $0x80, s11, s10, $0xb8;
	[tilespmem:$0x1C200] =	vst v63  }
0x6a: {  	_ =	swait.ge [sflag:s20], $0x4000  }
0x6b: {  	[sflag:s20] =	ssyncset.done $0x0  }
0x6c: {  	s29 =	sadd.s32 $0x0, s22;
	[sflag:s20] =	ssyncadd.s32 $0xFFFFC000  }
0x6d: {  	[tilespmem:s10], [sflag:$0x2] =	stream.linear.gather [hbm4b:s29+s4], $0x80, $0x38;
	[tilespmem:$0x1C200] =	vst v63  }
0x6e: {  	s30 =	sadd.s32 $0x0, s21  }
0x6f: {  	[tilespmem:s11], [sflag:$0x4] =	stream.linear.gather [hbm4b:s30+s4], $0x80, $0x38;
	[tilespmem:$0x1C200] =	vst v63  }
0x70: {  	_ =	swait.ge [sflag:s12], $0x80  }
0x71: {  	[sflag:s12] =	ssyncset.done $0x0  }
0x72: {  	[sflag:s12] =	ssyncadd.s32 $0xFFFFFF80  }
0x73: {  	_ =	swait.ge [sflag:s13], $0x80  }
0x74: {  	[sflag:s13] =	ssyncset.done $0x0  }
0x75: {  	[sflag:s13] =	ssyncadd.s32 $0xFFFFFF80  }
0x76: {  	[tilespmem:s14], [sflag:$0x6] =	stream.indirect.gather [hbm4b:s5+s10], $0x80, s10, s10, $0xb8;
	[tilespmem:$0x1C200] =	vst v63  }
0x77: {  	_ =	swait.ge [sflag:s15], $0x4000  }
0x78: {  	[sflag:s15] =	ssyncset.done $0x0  }
0x79: {  	s26 =	sadd.s32 $0x100, s23;
	s25 =	simm.s32 $0x20;
	[sflag:s15] =	ssyncadd.s32 $0xFFFFC000  }
.LBB2_2:
0x7a: {  	[spmem:s2] =	stream.indirect.scatter.add.f32 [tilespmem:s3], [sflag:$0x7], $0x80, s9, s10, $0xb8;
	[tilespmem:$0x1C200] =	vst v63  }
0x7b: {  	s28 =	smov.u32 s25  }
0x7c: {  	p0 =	sne.s32 s25, $0x4A0;
	s25 =	sadd.s32 $0x20, s25;
	_ =	swait.ge [sflag:s16], $0x4000  }
0x7d: {  	s29 =	sshrl.u32 s26, $0x3;
	[sflag:s16] =	ssyncset.done $0x0  }
0x7e: {  	s30 =	sadd.s32 s6, s29;
	[sflag:s16] =	ssyncadd.s32 $0xFFFFC000  }
0x7f: {  	[tilespmem:s4], [sflag:$0x1] =	stream.linear.gather [hbm4b:s30+s4], $0x80, $0x38;
	[tilespmem:$0x1C200] =	vst v63  }
0x80: {  	s29 =	sadd.s32 s1, s29  }
0x81: {  	[tilespmem:s9], [sflag:$0x3] =	stream.linear.gather [hbm4b:s29+s4], $0x80, $0x38;
	[tilespmem:$0x1C200] =	vst v63  }
0x82: {  	_ =	swait.ge [sflag:s17], $0x80  }
0x83: {  	[sflag:s17] =	ssyncset.done $0x0  }
0x84: {  	[sflag:s17] =	ssyncadd.s32 $0xFFFFFF80  }
0x85: {  	_ =	swait.ge [sflag:s18], $0x80  }
0x86: {  	[sflag:s18] =	ssyncset.done $0x0  }
0x87: {  	[sflag:s18] =	ssyncadd.s32 $0xFFFFFF80  }
0x88: {  	[tilespmem:s3], [sflag:$0x5] =	stream.indirect.gather [hbm4b:s5+s10], $0x80, s4, s10, $0xb8;
	[tilespmem:$0x1C200] =	vst v63  }
0x89: {  	_ =	swait.ge [sflag:s19], $0x4000  }
0x8a: {  	[sflag:s19] =	ssyncset.done $0x0  }
0x8b: {  	[sflag:s19] =	ssyncadd.s32 $0xFFFFC000  }
0x8c: {  	[spmem:s2] =	stream.indirect.scatter.add.f32 [tilespmem:s14], [sflag:$0x8], $0x80, s11, s10, $0xb8;
	[tilespmem:$0x1C200] =	vst v63  }
0x8d: {  	_ =	swait.ge [sflag:s20], $0x4000  }
0x8e: {  	[sflag:s20] =	ssyncset.done $0x0  }
0x8f: {  	s29 =	sadd.s32 s28, s22;
	[sflag:s20] =	ssyncadd.s32 $0xFFFFC000  }
0x90: {  	[tilespmem:s10], [sflag:$0x2] =	stream.linear.gather [hbm4b:s29+s4], $0x80, $0x38;
	[tilespmem:$0x1C200] =	vst v63  }
0x91: {  	s28 =	sadd.s32 s28, s21  }
0x92: {  	[tilespmem:s11], [sflag:$0x4] =	stream.linear.gather [hbm4b:s28+s4], $0x80, $0x38;
	[tilespmem:$0x1C200] =	vst v63  }
0x93: {  	_ =	swait.ge [sflag:s12], $0x80  }
0x94: {  	[sflag:s12] =	ssyncset.done $0x0  }
0x95: {  	[sflag:s12] =	ssyncadd.s32 $0xFFFFFF80  }
0x96: {  	_ =	swait.ge [sflag:s13], $0x80  }
0x97: {  	[sflag:s13] =	ssyncset.done $0x0  }
.Ltmp0:
0x98: {  	[sflag:s13] =	ssyncadd.s32 $0xFFFFFF80;
	(pc) =	sbr.rel @p0 .LBB2_2-.Ltmp0, $4  }
0x99: {  	[tilespmem:s14], [sflag:$0x6] =	stream.indirect.gather [hbm4b:s5+s10], $0x80, s10, s10, $0xb8;
	[tilespmem:$0x1C200] =	vst v63  }
0x9a: {  	_ =	swait.ge [sflag:s15], $0x4000  }
0x9b: {  	[sflag:s15] =	ssyncset.done $0x0  }
0x9c: {  	s26 =	sadd.s32 $0x100, s26;
	[sflag:s15] =	ssyncadd.s32 $0xFFFFC000  }
0x9d: {  	[spmem:s2] =	stream.indirect.scatter.add.f32 [tilespmem:s3], [sflag:$0x7], $0x80, s9, s10, $0xb8;
	[tilespmem:$0x1C200] =	vst v63  }
0x9e: {  	_ =	swait.ge [sflag:s16], $0x4000  }
0x9f: {  	[sflag:s16] =	ssyncset.done $0x0  }
0xa0: {  	s25 =	rddreg [dreg:$0xe];
	[sflag:s16] =	ssyncadd.s32 $0xFFFFC000  }
0xa1: {  	[tilespmem:s4], [sflag:$0x1] =	stream.linear.gather [hbm4b:s25+s4], $0x80, $0x38;
	[tilespmem:$0x1C200] =	vst v63  }
0xa2: {  	s28 =	rddreg [dreg:$0xf]  }
0xa3: {  	[tilespmem:s9], [sflag:$0x3] =	stream.linear.gather [hbm4b:s28+s4], $0x80, $0x38;
	[tilespmem:$0x1C200] =	vst v63  }
0xa4: {  	_ =	swait.ge [sflag:s17], $0x80  }
0xa5: {  	[sflag:s17] =	ssyncset.done $0x0  }
0xa6: {  	[sflag:s17] =	ssyncadd.s32 $0xFFFFFF80  }
0xa7: {  	_ =	swait.ge [sflag:s18], $0x80  }
0xa8: {  	[sflag:s18] =	ssyncset.done $0x0  }
0xa9: {  	[sflag:s18] =	ssyncadd.s32 $0xFFFFFF80  }
0xaa: {  	[tilespmem:s3], [sflag:$0x5] =	stream.indirect.gather [hbm4b:s5+s10], $0x80, s4, s10, $0xb8;
	[tilespmem:$0x1C200] =	vst v63  }
0xab: {  	_ =	swait.ge [sflag:s19], $0x4000  }
0xac: {  	[sflag:s19] =	ssyncset.done $0x0  }
0xad: {  	[sflag:s19] =	ssyncadd.s32 $0xFFFFC000  }
0xae: {  	[spmem:s2] =	stream.indirect.scatter.add.f32 [tilespmem:s14], [sflag:$0x8], $0x80, s11, s10, $0xb8;
	[tilespmem:$0x1C200] =	vst v63  }
0xaf: {  	_ =	swait.ge [sflag:s20], $0x4000  }
0xb0: {  	[sflag:s20] =	ssyncset.done $0x0  }
0xb1: {  	[sflag:s20] =	ssyncadd.s32 $0xFFFFC000  }
0xb2: {  	_ =	swait.ge [sflag:s15], $0x4000  }
0xb3: {  	[sflag:s15] =	ssyncset.done $0x0  }
0xb4: {  	[sflag:s15] =	ssyncadd.s32 $0xFFFFC000  }
0xb5: {  	[spmem:s2] =	stream.indirect.scatter.add.f32 [tilespmem:s3], [sflag:$0x7], $0x80, s9, s10, $0xb8;
	[tilespmem:$0x1C200] =	vst v63  }
0xb6: {  	_ =	swait.ge [sflag:s16], $0x4000  }
0xb7: {  	[sflag:s16] =	ssyncset.done $0x0  }
0xb8: {  	s29 =	stileid.u32;
	[sflag:s16] =	ssyncadd.s32 $0xFFFFC000  }
0xb9: {  	s25 =	sshll.u32 s29, $0x6;
	[bflag:$0x0] =	sbarrier.arrive $0xFFFF  }
0xba: {  	s26 =	sshrl.u32 s8, $0x3;
	s25 =	sor.u32 $0x1C09, s25;
	s28 =	rddreg [dreg:$0x7]  }
0xbb: {  	[hbm:s28], [sflag:s25] =	dma.local [spmem:s26], $0x800  }
0xbc: {  	_ =	swait.ge [sflag:s7], $0x800  }
0xbd: {  	[sflag:s7] =	ssyncset.done $0x0;
	s30 =	rddreg [dreg:$0x8]  }
0xbe: {  	s29 =	rddreg [dreg:$0x11];
	[sflag:s7] =	ssyncadd.s32 $0xFFFFF800  }
0xbf: {  	[hbm:s30], [sflag:s25] =	dma.local [spmem:s29], $0x800  }
0xc0: {  	_ =	swait.ge [sflag:s7], $0x800  }
0xc1: {  	[sflag:s7] =	ssyncset.done $0x0;
	s30 =	rddreg [dreg:$0x9]  }
0xc2: {  	s29 =	rddreg [dreg:$0x12];
	[sflag:s7] =	ssyncadd.s32 $0xFFFFF800  }
0xc3: {  	[hbm:s30], [sflag:s25] =	dma.local [spmem:s29], $0x800  }
0xc4: {  	_ =	swait.ge [sflag:s7], $0x800  }
0xc5: {  	[sflag:s7] =	ssyncset.done $0x0;
	s30 =	rddreg [dreg:$0xa]  }
0xc6: {  	s29 =	rddreg [dreg:$0x13];
	[sflag:s7] =	ssyncadd.s32 $0xFFFFF800  }
0xc7: {  	[hbm:s30], [sflag:s25] =	dma.local [spmem:s29], $0x800  }
0xc8: {  	_ =	swait.ge [sflag:s7], $0x800  }
0xc9: {  	[sflag:s7] =	ssyncset.done $0x0;
	s30 =	rddreg [dreg:$0xb]  }
0xca: {  	s29 =	rddreg [dreg:$0x14];
	[sflag:s7] =	ssyncadd.s32 $0xFFFFF800  }
0xcb: {  	[hbm:s30], [sflag:s25] =	dma.local [spmem:s29], $0x800  }
0xcc: {  	_ =	swait.ge [sflag:s7], $0x800  }
0xcd: {  	s24 =	sadd.s32 $0x1, s24;
	s30 =	rddreg [dreg:$0x10]  }
0xce: {  	p0 =	sne.s32 s24, s30  }
.Ltmp1:
0xcf: {  	_ = 	snop;
	(pc) =	sbr.rel @p0 .LBB2_1-.Ltmp1, $3  }
0xd0: {  	_ =	sdelay $0x1  }
0xd1: {  	[sflag:s7] =	ssyncset.done $0x0  }
0xd2: {  	[sflag:s7] =	ssyncadd.s32 $0xFFFFF800  }
0xd3: {  	_ =	sfence.sel $0x180000  }
0xd4: {  	[bflag:$0x0] =	sbarrier.arrive $0xFFFF  }
0xd5: {  	_ =	strace $0x9000004D  }
0xd6: {  	s0 =	stileid.u32;
	[bflag:$0x2] =	sbarrier.arrive $0xFFFF  }
0xd7: {  	p0 =	sne.s32 s0, $0x0;
	s0 =	rddreg [dreg:$0x3]  }
0xd8: {  	s0 =	sadd.s32 @!p0 $0x100000, s0  }
0xd9: {  	[sflag:s0] =	ssyncadd.tile.s32 @!p0 $0x1;
	_ =	shalt  }
.Lfunc_end2:
_tile_overlayer_lowered:
.L_overlay_start_2:
0xda: {  	(tag) =	ssettag $0x2  }
0xdb: {  	s0 =	rddreg [dreg:$0x0];
	s2 =	stileid.u32  }
0xdc: {  	s1 =	rddreg [dreg:$0x1];
	p0 =	sne.s32 s2, $0x0  }
0xdd: {  	s3 =	rddreg [dreg:$0x2];
	[bflag:$0x3] =	sbarrier.arrive $0xFFFF;
	s2 =	simm.s32 @!p0 $0x1C09  }
0xde: {  	[timem:s3], [sflag:s2] =	dma.local @!p0 [hbm:s0], s1  }
0xdf: {  	s0 =	simm.s32 @!p0 $0x9  }
0xe0: {  	_ =	swait.ge @!p0 [sflag:s0], s1  }
0xe1: {  	s1 =	ssub.s32 @!p0 $0x0, s1;
	[sflag:s0] =	ssyncset.done @!p0 $0x0  }
0xe2: {  	[sflag:s0] =	ssyncadd.s32 @!p0 s1  }
0xe3: {  	[bflag:$0x3] =	sbarrier.arrive $0xFFFF  }
0xe4: {  	_ =	shalt  }

// kernel: kernel.9.cloned.1.call-start
scs
__scs_entry_jumppad:
0x0: {  	(pc) =	sbr.rel $0x88, $3  }
0x1: {  	(tag) =	ssettag $0x0;
	lr =	simm.s32 $0x1  }
0x2: {  	[smem:$0x3F9B] =	sst lr;
	_ =	strace $0xD0000000  }
0x3: {  	_ = 	snop  }
0x4: {  	_ = 	snop  }
0x5: {  	_ = 	snop  }
0x6: {  	_ = 	snop  }
0x7: {  	_ = 	snop  }
__scs_overlays_trampoline_lowered:
0x8: {  	[smem:$0x3FAA] =	sst s0  }
0x9: {  	[smem:$0x3FAB] =	sst s1  }
0xa: {  	[smem:$0x3FAC] =	sst s2  }
0xb: {  	[smem:$0x3FAD] =	sst s3  }
0xc: {  	[smem:$0x3FAE] =	sst s4  }
0xd: {  	[smem:$0x3FAF] =	sst s5  }
0xe: {  	[smem:$0x3FB0] =	sst s6  }
0xf: {  	[smem:$0x3FB1] =	sst s7  }
0x10: {  	[smem:$0x3FB2] =	sst s8  }
0x11: {  	[smem:$0x3FB3] =	sst s9;
	s0 =	simm.s32 @!p0 $0x0  }
0x12: {  	s1 =	sld [smem:$0x3F99];
	s0 =	simm.s32 @p0 $0x1  }
0x13: {  	[smem:$0x3FB4] =	sst s0;
	s0 =	simm.s32 @!p1 $0x0  }
0x14: {  	s2 =	sld [smem:$0x3F98];
	s0 =	simm.s32 @p1 $0x1  }
0x15: {  	[smem:$0x3FB5] =	sst s0;
	s0 =	simm.s32 @!p2 $0x0  }
0x16: {  	s3 =	sld [smem:$0x3FDB];
	s0 =	simm.s32 @p2 $0x1  }
0x17: {  	s4 =	simm.s32 $0x1BF5;
	[smem:$0x3FB7] =	sst s0  }
0x18: {  	s0 =	sld [smem:$0x3F9A];
	_ =	swait.ge [sflag:s4], $0x0  }
0x19: {  	s7 =	sld [smem:$0x3F9B]  }
0x1a: {  	s8 =	sadd.s32 $0xFFFFE003, lr  }
0x1b: {  	s9 =	sadd.s32 $0xFFFFFEF7, lr;
	s5 =	simm.s32 $0xFFFFFFFF;
	p2 =	slt.u32 s8, $0xFFFFF086  }
0x1c: {  	p1 =	slt.u32 s9, $0xF7A;
	s5 =	simm.s32 @!p2 $0x0  }
0x1d: {  	s5 =	simm.s32 @p1 $0x1;
	p0 =	seq.s32 s7, s2  }
0x1e: {  	s7 =	smul.u32 @!p0 $0xF7A, s2;
	p2 =	seq.s32 @!p0 s5, $0x0  }
0x1f: {  	s9 =	smul.u32 $0xF7A, s1;
	s8 =	simm.s32 @!p0 $0x1BF5;
	p2 =	por !p2, p0  }
0x20: {  	[sflag:s8] =	ssyncset.s32 @!p0 $0xFFFFF086;
	s6 =	sadd.s32 @!p0 s3, s7;
	s7 =	simm.s32 @!p0 $0x108  }
0x21: {  	s3 =	sadd.s32 s3, s9;
	s6 =	sadd.s32 @!p0 $0x88, s6;
	s7 =	simm.s32 @p2 $0x1082  }
0x22: {  	[simem:s7], [sflag:s8] =	dma.local @!p0 [hbm:s6], $0xF7A  }
0x23: {  	s9 =	sor.u32 $0xD0000000, s2;
	s6 =	simm.s32 $0x108;
	_ =	swait.ge @!p0 [sflag:s8], $0x0  }
0x24: {  	s3 =	sadd.s32 $0x88, s3;
	s6 =	simm.s32 @!p1 $0x1082;
	[sflag:s4] =	ssyncset.s32 $0xFFFFF086  }
0x25: {  	[simem:s6], [sflag:s4] =	dma.local [hbm:s3], $0xF7A  }
0x26: {  	[smem:$0x3F9B] =	sst s1;
	(tag) =	ssettag s2;
	_ =	strace s9  }
0x27: {  	s1 =	sld [smem:$0x3FAB]  }
0x28: {  	s2 =	sld [smem:$0x3FAC]  }
0x29: {  	s4 =	sld [smem:$0x3FAE]  }
0x2a: {  	p0 =	seq.s32 s5, $0x0;
	s5 =	sld [smem:$0x3FAF]  }
0x2b: {  	s6 =	sld [smem:$0x3FB0]  }
0x2c: {  	s7 =	sld [smem:$0x3FB1]  }
0x2d: {  	s3 =	simm.s32 $0x108;
	s8 =	sld [smem:$0x3FB2]  }
0x2e: {  	s3 =	simm.s32 @!p0 $0x1082;
	s9 =	sld [smem:$0x3FB3]  }
0x2f: {  	lr =	sadd.s32 s0, s3;
	s0 =	sld [smem:$0x3FAA]  }
0x30: {  	s3 =	sld [smem:$0x3FAD]  }
0x31: {  	[smem:$0x3FB6] =	sst s10  }
0x32: {  	s10 =	sld [smem:$0x3FB4];
	_ =	sdelay $0x3  }
0x33: {  	p0 =	seq.s32 s10, $0x1;
	s10 =	sld [smem:$0x3FB6];
	_ =	sdelay $0x3  }
0x34: {  	[smem:$0x3FB6] =	sst s10  }
0x35: {  	s10 =	sld [smem:$0x3FB5];
	_ =	sdelay $0x3  }
0x36: {  	p1 =	seq.s32 s10, $0x1;
	s10 =	sld [smem:$0x3FB6];
	_ =	sdelay $0x3  }
0x37: {  	[smem:$0x3FB6] =	sst s10  }
0x38: {  	s10 =	sld [smem:$0x3FB7]  }
0x39: {  	_ = 	snop;
	(pc) =	sbr.ind lr, $3  }
0x3a: {  	_ = 	snop  }
0x3b: {  	_ = 	snop  }
0x3c: {  	p2 =	seq.s32 s10, $0x1;
	s10 =	sld [smem:$0x3FB6]  }
0x3d: {  	_ =	shalt  }
0x3e: {  	_ =	shalt  }
0x3f: {  	_ =	shalt  }
0x40: {  	_ =	shalt  }
0x41: {  	_ =	shalt  }
0x42: {  	_ =	shalt  }
0x43: {  	_ =	shalt  }
0x44: {  	_ =	shalt  }
0x45: {  	_ =	shalt  }
0x46: {  	_ =	shalt  }
0x47: {  	_ =	shalt  }
0x48: {  	_ =	shalt  }
0x49: {  	_ =	shalt  }
0x4a: {  	_ =	shalt  }
0x4b: {  	_ =	shalt  }
0x4c: {  	_ =	shalt  }
0x4d: {  	_ =	shalt  }
0x4e: {  	_ =	shalt  }
0x4f: {  	_ =	shalt  }
0x50: {  	_ =	shalt  }
0x51: {  	_ =	shalt  }
0x52: {  	_ =	shalt  }
0x53: {  	_ =	shalt  }
0x54: {  	_ =	shalt  }
0x55: {  	_ =	shalt  }
0x56: {  	_ =	shalt  }
0x57: {  	_ =	shalt  }
0x58: {  	_ =	shalt  }
0x59: {  	_ =	shalt  }
0x5a: {  	_ =	shalt  }
0x5b: {  	_ =	shalt  }
0x5c: {  	_ =	shalt  }
0x5d: {  	_ =	shalt  }
0x5e: {  	_ =	shalt  }
0x5f: {  	_ =	shalt  }
0x60: {  	_ =	shalt  }
0x61: {  	_ =	shalt  }
0x62: {  	_ =	shalt  }
0x63: {  	_ =	shalt  }
0x64: {  	_ =	shalt  }
0x65: {  	_ =	shalt  }
0x66: {  	_ =	shalt  }
0x67: {  	_ =	shalt  }
0x68: {  	_ =	shalt  }
0x69: {  	_ =	shalt  }
0x6a: {  	_ =	shalt  }
0x6b: {  	_ =	shalt  }
0x6c: {  	_ =	shalt  }
0x6d: {  	_ =	shalt  }
0x6e: {  	_ =	shalt  }
0x6f: {  	_ =	shalt  }
0x70: {  	_ =	shalt  }
0x71: {  	_ =	shalt  }
0x72: {  	_ =	shalt  }
0x73: {  	_ =	shalt  }
0x74: {  	_ =	shalt  }
0x75: {  	_ =	shalt  }
0x76: {  	_ =	shalt  }
0x77: {  	_ =	shalt  }
0x78: {  	_ =	shalt  }
0x79: {  	_ =	shalt  }
0x7a: {  	_ =	shalt  }
0x7b: {  	_ =	shalt  }
0x7c: {  	_ =	shalt  }
0x7d: {  	_ =	shalt  }
0x7e: {  	_ =	shalt  }
0x7f: {  	_ =	shalt  }
0x80: {  	_ =	shalt  }
0x81: {  	_ =	shalt  }
0x82: {  	_ =	shalt  }
0x83: {  	_ =	shalt  }
0x84: {  	_ =	shalt  }
0x85: {  	_ =	shalt  }
0x86: {  	_ =	shalt  }
0x87: {  	_ =	shalt  }
.Lfunc_end0:
.L_simem_size_0:
called_computation_lowered:
.L_overlay_start_0:
0x88: {  	s2 =	sld [smem:$0x3FD9]  }
0x89: {  	s3 =	sld [smem:$0x3FFE];
	_ =	sdelay $0x1  }
0x8a: {  	s1 =	srdreg.scid  }
0x8b: {  	s0 =	sand.u32 $0x1, s1  }
0x8c: {  	s17 =	sshll.u32 s0, $0xA;
	s2 =	sadd.s32 s3, s2  }
0x8d: {  	s2 =	sadd.s32 s2, s17  }
0x8e: {  	[smem:$0x3FC2] =	sst s2  }
0x8f: {  	_ = 	snop  }
0x90: {  	s2 =	sld [smem:$0x3FD0];
	(tm) =	ssettm $0x1  }
0x91: {  	s18 =	sld [smem:$0x3FFB];
	_ =	sdelay $0x3  }
0x92: {  	_ =	strace s18  }
0x93: {  	s3 =	sld [smem:$0x3FFC];
	_ =	sdelay $0x3  }
0x94: {  	_ =	strace s3  }
0x95: {  	s3 =	sld [smem:$0x3FFD];
	_ =	sdelay $0x3  }
0x96: {  	_ =	strace s3  }
0x97: {  	_ =	strace $0x8FFFFFFF  }
0x98: {  	s19 =	sld [smem:$0x3FDB];
	_ =	sdelay $0x1  }
0x99: {  	s4 =	simm.s32 $_scs_section_size  }
0x9a: {  	s5 =	simm.s32 $_size__tile_overlayer_lowered;
	s6 =	simm.s32 $_tile_overlayer_lowered  }
0x9b: {  	s22 =	simm.s32 $0x1BFF;
	s21 =	sshll.u32 s6, $0x1;
	s3 =	sadd.s32 s4, s19  }
0x9c: {  	s7 =	simm.s32 $0x0;
	s20 =	sshll.u32 s5, $0x1;
	s5 =	sadd.s32 s21, s3  }
0x9d: {  	[timem:s7], [sflag:s22] =	dma.local [hbm:s5], s20  }
0x9e: {  	_ =	swait.ge [sflag:s22], s20  }
0x9f: {  	s4 =	ssub.s32 $0x0, s20;
	[sflag:s22] =	ssyncset.done $0x0  }
0xa0: {  	[sflag:s22] =	ssyncadd.s32 s4;
	_ =	sdelay $0x1  }
0xa1: {  	s23 =	simm.s32 $0x1B8B  }
0xa2: {  	_ =	swait.ge [sflag:s23], $0x1  }
0xa3: {  	[sflag:s23] =	ssyncset.done $0x0  }
0xa4: {  	s25 =	simm.s32 $0x1B8E;
	s24 =	sld [smem:$0x3FFE];
	[sflag:s23] =	ssyncadd.s32 $0xFFFFFFFF  }
0xa5: {  	s26 =	simm.s32 $execute0_lowered;
	[smem:$0x3FD2] =	sst s25  }
0xa6: {  	s5 =	sshll.u32 s26, $0x1;
	_ =	strace $0x80000046;
	[dreg:$0x1] =	wrdreg $0xFFFFFFFF  }
0xa7: {  	s28 =	simm.s32 $_size_execute0_lowered;
	s3 =	sadd.s32 s3, s5;
	[dreg:$0x0] =	wrdreg $0x0  }
0xa8: {  	s5 =	sshll.u32 s28, $0x1;
	[dreg:$0x2] =	wrdreg s3  }
0xa9: {  	[dreg:$0x3] =	wrdreg s5  }
0xaa: {  	[dreg:$0x4] =	wrdreg $0xC0  }
0xab: {  	_ =	task [dreg:s7], $0x5FFFF  }
0xac: {  	[dreg:$0x1] =	wrdreg $0xFFFFFFFF  }
0xad: {  	[dreg:$0x0] =	wrdreg $0x60  }
0xae: {  	[dreg:$0x2] =	wrdreg s2  }
0xaf: {  	[dreg:$0x3] =	wrdreg s24  }
0xb0: {  	[dreg:$0x4] =	wrdreg $0x41000  }
0xb1: {  	[dreg:$0x5] =	wrdreg $0x9  }
0xb2: {  	_ =	task.clear_ibuf [dreg:s7], $0x6FFFF;
	_ =	strace $0x90000046  }
0xb3: {  	s29 =	simm.s32 $0x9;
	_ =	strace $0x80000048  }
0xb4: {  	_ =	swait.ge [sflag:s29], $0x1  }
0xb5: {  	[sflag:s29] =	ssyncadd.s32 $0xFFFFFFFF  }
0xb6: {  	_ =	strace $0x90000048  }
0xb7: {  	_ =	sfence  }
0xb8: {  	s30 =	sld [smem:$0x0];
	_ =	sdelay $0x2  }
0xb9: {  	s31 =	sshll.u32 s1, $0xD;
	s1 =	sshrl.u32 s1, $0x2  }
0xba: {  	s3 =	sand.u32 $0x4000, s31;
	s1 =	sadd.s32 s1, s30  }
0xbb: {  	s0 =	sor.u32 s3, s0;
	s1 =	sshll.u32 s1, $0x11  }
0xbc: {  	s0 =	sor.u32 s1, s0  }
0xbd: {  	s0 =	sadd.s32 $0x8F2B, s0  }
0xbe: {  	[sflag:s0] =	ssyncadd.remote.s32 $0x1  }
0xbf: {  	_ =	sfence.sel $0xFFFF  }
0xc0: {  	[dreg:$0x0] =	wrdreg $0xFFFFFFFF;
	(pc) =	sbr.abs _section_cstart, $3  }
0xc1: {  	[dreg:$0x1] =	wrdreg $0xFFFFFFFF  }
0xc2: {  	_ =	task.clear_ibuf [dreg:s7], $0x2FFFF;
	_ =	strace $0x9FFFFFFF  }
0xc3: {  	(tm) =	ssettm $0x7FFFFFFF  }
tec
execute0_lowered:
.L_overlay_start_1:
0x0: {  	(tag) =	ssettag $0x1  }
0x1: {  	s1 =	rddreg [dreg:$0x0]  }
0x2: {  	s0 =	rddreg [dreg:$0x1]  }
0x3: {  	s3 =	rddreg [dreg:$0x2];
	s4 =	simm.s32 $0x0;
	s2 =	srdreg.scid  }
0x4: {  	s12 =	stileid.u32;
	s28 =	simm.s32 $0x100;
	s29 =	simm.s32 $0x5  }
0x5: {  	s30 =	simm.s32 $0x80;
	s31 =	simm.s32 $0x2;
	s5 =	smul.u32 $0x50000, s12  }
0x6: {  	[smem:$0x7FF] =	sst s4;
	s2 =	sand.u32 $0x1, s2;
	s15 =	smul.u32 $0x4F, s12  }
0x7: {  	s7 =	sadd.s32 $0x2400, s0;
	s14 =	sadd.s32 $0x1C00, s0;
	s11 =	smul.u32 $0x14000, s12  }
0x8: {  	s0 =	sadd.s32 $0x2C00, s0;
	_ =	strace $0x80000047;
	s6 =	smul.u32 $0x4F0, s2  }
0x9: {  	[dreg:$0x4] =	wrdreg s7;
	s8 =	ssub.s32 $0x2, s2;
	s9 =	smul.u32 $0x140000, s2  }
0xa: {  	[dreg:$0x5] =	wrdreg s14;
	s2 =	smul.u32 $0x27800, s2;
	s10 =	sshrl.u32 s8, $0x1  }
0xb: {  	s5 =	sshrl.u32 s5, $0x2;
	s19 =	sadd.s32 $0x4000, s11;
	s21 =	sadd.s32 $0x8000, s11  }
0xc: {  	s23 =	sadd.s32 $0xC000, s11;
	s6 =	sadd.s32 s15, s6;
	s10 =	ssub.s32 s8, s10  }
0xd: {  	s7 =	sadd.s32 s5, s3;
	s16 =	sadd.s32 s9, s11;
	s20 =	sadd.s32 s9, s19  }
0xe: {  	s22 =	sadd.s32 s9, s21;
	s11 =	sadd.s32 $0x10000, s11;
	s24 =	sadd.s32 s9, s23  }
0xf: {  	s6 =	sshll.u32 s6, $0x4;
	s5 =	sshrl.u32 s16, $0x3;
	s18 =	smax.u32 s10, $0x1  }
0x10: {  	s13 =	sadd.s32 $0x4000, s7;
	s14 =	sadd.s32 $0x8000, s7;
	s15 =	sadd.s32 $0xC000, s7  }
0x11: {  	s9 =	sadd.s32 s9, s11;
	s10 =	sadd.s32 s21, s3;
	s26 =	sadd.s32 s11, s3  }
0x12: {  	s8 =	sadd.s32 s1, s6;
	s5 =	sadd.s32 s0, s5;
	[dreg:$0x9] =	wrdreg s18  }
0x13: {  	s18 =	smul.u32 $0x2780, s12;
	s6 =	sadd.s32 $0x10, s8;
	[dreg:$0x8] =	wrdreg s5  }
0x14: {  	s9 =	sshrl.u32 s9, $0x3;
	s17 =	sadd.s32 $0x4E0, s8;
	[dreg:$0x6] =	wrdreg s6  }
0x15: {  	s5 =	sadd.s32 s19, s3;
	s19 =	sadd.s32 s0, s9;
	[dreg:$0x7] =	wrdreg s17  }
0x16: {  	s6 =	sshrl.u32 s20, $0x3;
	s2 =	sadd.s32 s18, s2;
	s18 =	sshrl.u32 s24, $0x3  }
0x17: {  	s16 =	sadd.s32 s0, s6;
	s6 =	sshrl.u32 s22, $0x3;
	s18 =	sadd.s32 s0, s18  }
0x18: {  	s25 =	sadd.s32 $0x180, s2;
	s21 =	sadd.s32 $0x100, s2;
	s22 =	sshrl.u32 s5, $0x3  }
0x19: {  	s2 =	simm.s32 $0x1;
	s5 =	simm.s32 $0x4;
	s17 =	sadd.s32 s0, s6  }
0x1a: {  	s6 =	sadd.s32 s23, s3;
	s0 =	sshrl.u32 s25, $0x3;
	s23 =	sshrl.u32 s10, $0x3  }
0x1b: {  	s25 =	sshrl.u32 s26, $0x3;
	s26 =	sadd.s32 $0x10000, s7;
	s20 =	sadd.s32 s0, s1  }
0x1c: {  	s24 =	sshrl.u32 s6, $0x3;
	s0 =	simm.s32 $0x3;
	s6 =	simm.s32 $0x0  }
.LBB2_1:
0x1d: {  	s9 =	rddreg [dreg:$0x5]  }
0x1e: {  	[tilespmem:s28], [sflag:$0x5] =	stream.linear.gather [hbm4b:s9+s4], $0x4000, $0x38;
	[tilespmem:$0x18100] =	vst v63  }
0x1f: {  	_ =	swait.ge [sflag:s29], $0x4000  }
0x20: {  	[sflag:s29] =	ssyncset.done $0x0  }
0x21: {  	[sflag:s29] =	ssyncadd.s32 $0xFFFFC000  }
0x22: {  	[spmem:s7] =	stream.linear.scatter [tilespmem:s28], [sflag:$0x5], $0x4000, $0x38;
	[tilespmem:$0x18100] =	vst v63  }
0x23: {  	_ =	swait.ge [sflag:s29], $0x4000  }
0x24: {  	[sflag:s29] =	ssyncset.done $0x0  }
0x25: {  	[sflag:s29] =	ssyncadd.s32 $0xFFFFC000  }
0x26: {  	[spmem:s13] =	stream.linear.scatter [tilespmem:s28], [sflag:$0x5], $0x4000, $0x38;
	[tilespmem:$0x18100] =	vst v63  }
0x27: {  	_ =	swait.ge [sflag:s29], $0x4000  }
0x28: {  	[sflag:s29] =	ssyncset.done $0x0  }
0x29: {  	[sflag:s29] =	ssyncadd.s32 $0xFFFFC000  }
0x2a: {  	[spmem:s14] =	stream.linear.scatter [tilespmem:s28], [sflag:$0x5], $0x4000, $0x38;
	[tilespmem:$0x18100] =	vst v63  }
0x2b: {  	_ =	swait.ge [sflag:s29], $0x4000  }
0x2c: {  	[sflag:s29] =	ssyncset.done $0x0  }
0x2d: {  	[sflag:s29] =	ssyncadd.s32 $0xFFFFC000  }
0x2e: {  	[spmem:s15] =	stream.linear.scatter [tilespmem:s28], [sflag:$0x5], $0x4000, $0x38;
	[tilespmem:$0x18100] =	vst v63  }
0x2f: {  	_ =	swait.ge [sflag:s29], $0x4000  }
0x30: {  	[sflag:s29] =	ssyncset.done $0x0  }
0x31: {  	[sflag:s29] =	ssyncadd.s32 $0xFFFFC000  }
0x32: {  	[spmem:s26] =	stream.linear.scatter [tilespmem:s28], [sflag:$0x5], $0x4000, $0x38;
	[tilespmem:$0x18100] =	vst v63  }
0x33: {  	_ =	swait.ge [sflag:s29], $0x4000  }
0x34: {  	[sflag:s29] =	ssyncset.done $0x0  }
0x35: {  	s10 =	rddreg [dreg:$0x4];
	[sflag:s29] =	ssyncadd.s32 $0xFFFFC000  }
0x36: {  	[tilespmem:s28], [sflag:$0x5] =	stream.linear.gather [hbm4b:s10+s4], $0x4000, $0x38;
	[tilespmem:$0x18100] =	vst v63  }
0x37: {  	_ =	swait.ge [sflag:s29], $0x4000  }
0x38: {  	[sflag:s29] =	ssyncset.done $0x0  }
0x39: {  	[sflag:s29] =	ssyncadd.s32 $0xFFFFC000  }
0x3a: {  	[bflag:$0x0] =	sbarrier.arrive $0xFFFF  }
0x3b: {  	[tilespmem:s4], [sflag:$0x5] =	stream.linear.gather [hbm4b:s8+s4], $0x80, $0x38;
	[tilespmem:$0x18100] =	vst v63  }
0x3c: {  	_ =	swait.ge [sflag:s29], $0x80  }
0x3d: {  	[sflag:s29] =	ssyncset.done $0x0  }
0x3e: {  	[sflag:s29] =	ssyncadd.s32 $0xFFFFFF80  }
0x3f: {  	[spmem:s3] =	stream.indirect.scatter.add.f32 [tilespmem:s28], [sflag:$0x3], $0x80, s4, s30, $0xb8;
	[tilespmem:$0x18100] =	vst v63  }
0x40: {  	s11 =	rddreg [dreg:$0x6]  }
0x41: {  	[tilespmem:s30], [sflag:$0x2] =	stream.linear.gather [hbm4b:s11+s4], $0x80, $0x38;
	[tilespmem:$0x18100] =	vst v63  }
0x42: {  	_ =	swait.ge [sflag:s31], $0x80  }
0x43: {  	[sflag:s31] =	ssyncset.done $0x0  }
0x44: {  	[sflag:s31] =	ssyncadd.s32 $0xFFFFFF80  }
0x45: {  	[spmem:s3] =	stream.indirect.scatter.add.f32 [tilespmem:s28], [sflag:$0x4], $0x80, s30, s30, $0xb8;
	[tilespmem:$0x18100] =	vst v63  }
0x46: {  	_ =	swait.ge [sflag:s0], $0x4000  }
0x47: {  	s12 =	sshrl.u32 s21, $0x3;
	[sflag:s0] =	ssyncset.done $0x0  }
0x48: {  	s9 =	sadd.s32 s1, s12;
	[sflag:s0] =	ssyncadd.s32 $0xFFFFC000  }
0x49: {  	[tilespmem:s4], [sflag:$0x1] =	stream.linear.gather [hbm4b:s9+s4], $0x80, $0x38;
	[tilespmem:$0x18100] =	vst v63  }
0x4a: {  	_ =	swait.ge [sflag:s2], $0x80  }
0x4b: {  	[sflag:s2] =	ssyncset.done $0x0  }
0x4c: {  	[sflag:s2] =	ssyncadd.s32 $0xFFFFFF80  }
0x4d: {  	[spmem:s3] =	stream.indirect.scatter.add.f32 [tilespmem:s28], [sflag:$0x3], $0x80, s4, s30, $0xb8;
	[tilespmem:$0x18100] =	vst v63  }
0x4e: {  	_ =	swait.ge [sflag:s5], $0x4000  }
0x4f: {  	s10 =	sadd.s32 $0x100, s21;
	[sflag:s5] =	ssyncset.done $0x0  }
0x50: {  	s11 =	sadd.s32 $0x0, s20;
	s9 =	simm.s32 $0x20;
	[sflag:s5] =	ssyncadd.s32 $0xFFFFC000  }
.LBB2_2:
0x51: {  	[tilespmem:s30], [sflag:$0x2] =	stream.linear.gather [hbm4b:s11+s4], $0x80, $0x38;
	[tilespmem:$0x18100] =	vst v63  }
0x52: {  	s11 =	smov.u32 s9  }
0x53: {  	p0 =	sne.s32 s9, $0x4A0;
	s9 =	sadd.s32 $0x20, s9;
	_ =	swait.ge [sflag:s31], $0x80  }
0x54: {  	[sflag:s31] =	ssyncset.done $0x0  }
0x55: {  	[sflag:s31] =	ssyncadd.s32 $0xFFFFFF80  }
0x56: {  	[spmem:s3] =	stream.indirect.scatter.add.f32 [tilespmem:s28], [sflag:$0x4], $0x80, s30, s30, $0xb8;
	[tilespmem:$0x18100] =	vst v63  }
0x57: {  	_ =	swait.ge [sflag:s0], $0x4000  }
0x58: {  	s12 =	sshrl.u32 s10, $0x3;
	[sflag:s0] =	ssyncset.done $0x0  }
0x59: {  	s12 =	sadd.s32 s1, s12;
	[sflag:s0] =	ssyncadd.s32 $0xFFFFC000  }
0x5a: {  	[tilespmem:s4], [sflag:$0x1] =	stream.linear.gather [hbm4b:s12+s4], $0x80, $0x38;
	[tilespmem:$0x18100] =	vst v63  }
0x5b: {  	_ =	swait.ge [sflag:s2], $0x80  }
0x5c: {  	[sflag:s2] =	ssyncset.done $0x0  }
.Ltmp0:
0x5d: {  	[sflag:s2] =	ssyncadd.s32 $0xFFFFFF80;
	(pc) =	sbr.rel @p0 .LBB2_2-.Ltmp0, $4  }
0x5e: {  	[spmem:s3] =	stream.indirect.scatter.add.f32 [tilespmem:s28], [sflag:$0x3], $0x80, s4, s30, $0xb8;
	[tilespmem:$0x18100] =	vst v63  }
0x5f: {  	_ =	swait.ge [sflag:s5], $0x4000  }
0x60: {  	[sflag:s5] =	ssyncset.done $0x0  }
0x61: {  	s10 =	sadd.s32 $0x100, s10;
	s11 =	sadd.s32 s11, s20;
	[sflag:s5] =	ssyncadd.s32 $0xFFFFC000  }
0x62: {  	[tilespmem:s30], [sflag:$0x2] =	stream.linear.gather [hbm4b:s11+s4], $0x80, $0x38;
	[tilespmem:$0x18100] =	vst v63  }
0x63: {  	_ =	swait.ge [sflag:s31], $0x80  }
0x64: {  	[sflag:s31] =	ssyncset.done $0x0  }
0x65: {  	[sflag:s31] =	ssyncadd.s32 $0xFFFFFF80  }
0x66: {  	[spmem:s3] =	stream.indirect.scatter.add.f32 [tilespmem:s28], [sflag:$0x4], $0x80, s30, s30, $0xb8;
	[tilespmem:$0x18100] =	vst v63  }
0x67: {  	_ =	swait.ge [sflag:s0], $0x4000  }
0x68: {  	[sflag:s0] =	ssyncset.done $0x0  }
0x69: {  	s9 =	rddreg [dreg:$0x7];
	[sflag:s0] =	ssyncadd.s32 $0xFFFFC000  }
0x6a: {  	[tilespmem:s4], [sflag:$0x1] =	stream.linear.gather [hbm4b:s9+s4], $0x80, $0x38;
	[tilespmem:$0x18100] =	vst v63  }
0x6b: {  	_ =	swait.ge [sflag:s2], $0x80  }
0x6c: {  	[sflag:s2] =	ssyncset.done $0x0  }
0x6d: {  	[sflag:s2] =	ssyncadd.s32 $0xFFFFFF80  }
0x6e: {  	[spmem:s3] =	stream.indirect.scatter.add.f32 [tilespmem:s28], [sflag:$0x3], $0x80, s4, s30, $0xb8;
	[tilespmem:$0x18100] =	vst v63  }
0x6f: {  	_ =	swait.ge [sflag:s5], $0x4000  }
0x70: {  	[sflag:s5] =	ssyncset.done $0x0  }
0x71: {  	[sflag:s5] =	ssyncadd.s32 $0xFFFFC000  }
0x72: {  	_ =	swait.ge [sflag:s0], $0x4000  }
0x73: {  	[sflag:s0] =	ssyncset.done $0x0  }
0x74: {  	s11 =	stileid.u32;
	[sflag:s0] =	ssyncadd.s32 $0xFFFFC000  }
0x75: {  	s9 =	sshll.u32 s11, $0x6;
	[bflag:$0x0] =	sbarrier.arrive $0xFFFF  }
0x76: {  	s10 =	sshrl.u32 s7, $0x3;
	s9 =	sor.u32 $0x1C05, s9;
	s12 =	rddreg [dreg:$0x8]  }
0x77: {  	[hbm:s12], [sflag:s9] =	dma.local [spmem:s10], $0x800  }
0x78: {  	_ =	swait.ge [sflag:s29], $0x800  }
0x79: {  	[sflag:s29] =	ssyncset.done $0x0  }
0x7a: {  	[sflag:s29] =	ssyncadd.s32 $0xFFFFF800  }
0x7b: {  	[hbm:s16], [sflag:s9] =	dma.local [spmem:s22], $0x800  }
0x7c: {  	_ =	swait.ge [sflag:s29], $0x800  }
0x7d: {  	[sflag:s29] =	ssyncset.done $0x0  }
0x7e: {  	[sflag:s29] =	ssyncadd.s32 $0xFFFFF800  }
0x7f: {  	[hbm:s17], [sflag:s9] =	dma.local [spmem:s23], $0x800  }
0x80: {  	_ =	swait.ge [sflag:s29], $0x800  }
0x81: {  	[sflag:s29] =	ssyncset.done $0x0  }
0x82: {  	[sflag:s29] =	ssyncadd.s32 $0xFFFFF800  }
0x83: {  	[hbm:s18], [sflag:s9] =	dma.local [spmem:s24], $0x800  }
0x84: {  	_ =	swait.ge [sflag:s29], $0x800  }
0x85: {  	[sflag:s29] =	ssyncset.done $0x0  }
0x86: {  	[sflag:s29] =	ssyncadd.s32 $0xFFFFF800  }
0x87: {  	[hbm:s19], [sflag:s9] =	dma.local [spmem:s25], $0x800  }
0x88: {  	_ =	swait.ge [sflag:s29], $0x800  }
0x89: {  	s6 =	sadd.s32 $0x1, s6;
	s12 =	rddreg [dreg:$0x9]  }
0x8a: {  	p0 =	sne.s32 s6, s12  }
.Ltmp1:
0x8b: {  	_ = 	snop;
	(pc) =	sbr.rel @p0 .LBB2_1-.Ltmp1, $3  }
0x8c: {  	_ =	sdelay $0x1  }
0x8d: {  	[sflag:s29] =	ssyncset.done $0x0  }
0x8e: {  	[sflag:s29] =	ssyncadd.s32 $0xFFFFF800  }
0x8f: {  	_ =	sfence.sel $0x180000  }
0x90: {  	[bflag:$0x0] =	sbarrier.arrive $0xFFFF  }
0x91: {  	_ =	strace $0x90000047  }
0x92: {  	s0 =	stileid.u32;
	[bflag:$0x2] =	sbarrier.arrive $0xFFFF  }
0x93: {  	p0 =	sne.s32 s0, $0x0;
	s0 =	rddreg [dreg:$0x3]  }
0x94: {  	s0 =	sadd.s32 @!p0 $0x100000, s0  }
0x95: {  	[sflag:s0] =	ssyncadd.tile.s32 @!p0 $0x1;
	_ =	shalt  }
.Lfunc_end2:
_tile_overlayer_lowered:
.L_overlay_start_2:
0x96: {  	(tag) =	ssettag $0x2  }
0x97: {  	s0 =	rddreg [dreg:$0x0];
	s2 =	stileid.u32  }
0x98: {  	s1 =	rddreg [dreg:$0x1];
	p0 =	sne.s32 s2, $0x0  }
0x99: {  	s3 =	rddreg [dreg:$0x2];
	[bflag:$0x3] =	sbarrier.arrive $0xFFFF;
	s2 =	simm.s32 @!p0 $0x1C05  }
0x9a: {  	[timem:s3], [sflag:s2] =	dma.local @!p0 [hbm:s0], s1  }
0x9b: {  	s0 =	simm.s32 @!p0 $0x5  }
0x9c: {  	_ =	swait.ge @!p0 [sflag:s0], s1  }
0x9d: {  	s1 =	ssub.s32 @!p0 $0x0, s1;
	[sflag:s0] =	ssyncset.done @!p0 $0x0  }
0x9e: {  	[sflag:s0] =	ssyncadd.s32 @!p0 s1  }
0x9f: {  	[bflag:$0x3] =	sbarrier.arrive $0xFFFF  }
0xa0: {  	_ =	shalt  }

</sc_bundles>
